<compile_context>
chip_gen: v7x
topology: tpu7x:2x2x1
jax: 0.10.2.dev20260603
libtpu: 0.0.44.dev20260713+nightly
codegen_flags: <defaults>
</compile_context>

<pallas_src>
import dataclasses
import jax
import jax.numpy as jnp
from jax import lax
from jax.experimental import pallas as pl
from jax.experimental.pallas import tpu as pltpu
from jax.experimental.pallas import tpu_sc as plsc

N = 4096
NG = 6
NB = NG * NG
ROWW = 40
HD = 128
NC = 2
NS = 16
NW = NC * NS
LN = 16
BM = 512

SPLIT = 2560
NSC = N - SPLIT
IPW = NSC // NW
OCW = 128

BI = 128
BJ = 512
NCHUNK = N // BJ

_cp = pltpu.CompilerParams()
if "needs_layout_passes" in pltpu.CompilerParams.__dataclass_fields__:
    _cp = dataclasses.replace(_cp, needs_layout_passes=False)



def _pool_kernel(obs_i_ref, obs_t_ref, wt_ref, b_ref, out_ref):
    xi = obs_i_ref[:, 0:1]
    yi = obs_i_ref[:, 1:2]

    NGRP = (NB + 7) // 8
    accs = [jnp.zeros((BI, BJ), jnp.int32) for _ in range(NGRP)]
    for c in range(NCHUNK):
        xj = obs_t_ref[0:1, c * BJ:(c + 1) * BJ]
        yj = obs_t_ref[1:2, c * BJ:(c + 1) * BJ]
        ox = (xj - xi) + (NG / 2.0)
        oy = (yj - yi) + (NG / 2.0)
        valid = ((jnp.minimum(ox, oy) >= 0.0) &
                 (jnp.maximum(ox, oy) < float(NG)))
        xb = ox.astype(jnp.int32)
        yb = oy.astype(jnp.int32)
        binv = jnp.where(valid, xb * NG + yb, -1)
        w = jnp.left_shift(1, jnp.left_shift(binv & 7, 2))
        g = jnp.right_shift(binv, 3)
        for gi in range(NGRP):
            accs[gi] = accs[gi] + jnp.where(g == gi, w, 0)

    selfhit = jnp.where((xi * 0.0 == 0.0) & (yi * 0.0 == 0.0), 1.0, 0.0)
    occ_cols = []
    for gi in range(NGRP):
        ev = accs[gi] & 0x0F0F0F0F
        od = jnp.right_shift(accs[gi], 4) & 0x0F0F0F0F
        ev = (ev[:, 0:128] + ev[:, 128:256]) + (ev[:, 256:384] + ev[:, 384:512])
        od = (od[:, 0:128] + od[:, 128:256]) + (od[:, 256:384] + od[:, 384:512])
        for r in range(8):
            k = 8 * gi + r
            if k >= NB:
                break
            plane = ev if r % 2 == 0 else od
            byte = jnp.right_shift(plane, 8 * (r // 2)) & 255
            col = jnp.sum(byte.astype(jnp.float32), axis=1, keepdims=True)
            if k == 3 * NG + 3:
                col = col - selfhit
            occ_cols.append(col)
    occ_cols += [jnp.zeros((BI, 1), jnp.float32)] * (ROWW - NB)
    occ = jnp.concatenate(occ_cols, axis=1)
    out_ref[...] = (
        jnp.dot(occ, wt_ref[...], preferred_element_type=jnp.float32)
        + b_ref[...]
    )



def _hist_body(obs_t_hbm, occ_hbm, xs_v, ys_v, occ_v, sem):
    cid = lax.axis_index("core")
    sid = lax.axis_index("subcore")
    wid = cid * NS + sid
    base_i = SPLIT + wid * IPW

    copy_x = pltpu.make_async_copy(obs_t_hbm.at[0], xs_v, sem)
    copy_x.start()
    copy_y = pltpu.make_async_copy(obs_t_hbm.at[1], ys_v, sem)
    copy_y.start()

    zero16 = jnp.zeros((LN,), jnp.float32)

    @pl.loop(0, IPW * OCW, step=LN)
    def _(k):
        occ_v[pl.ds(k, LN)] = zero16

    copy_x.wait()
    copy_y.wait()

    lane = lax.broadcasted_iota(jnp.int32, (LN,), 0)
    ones = jnp.ones((LN,), jnp.float32)

    @pl.loop(0, IPW, step=LN)
    def _(ic):
        xi = xs_v[pl.ds(base_i + ic, LN)]
        yi = ys_v[pl.ds(base_i + ic, LN)]
        rowbase = (ic + lane) * OCW

        @pl.loop(0, N, step=LN)
        def _(jc):
            xjv = xs_v[pl.ds(jc, LN)]
            yjv = ys_v[pl.ds(jc, LN)]
            for jj in range(LN):
                ox = (xjv[jj] - xi) + (NG / 2.0)
                oy = (yjv[jj] - yi) + (NG / 2.0)
                m = ((jnp.minimum(ox, oy) >= 0.0) &
                     (jnp.maximum(ox, oy) < float(NG)))
                xb = ox.astype(jnp.int32)
                yb = oy.astype(jnp.int32)
                idx = rowbase + (xb * NG + yb)
                plsc.addupdate_scatter(occ_v, [idx], ones, mask=m)

        selfm = (xi * 0.0 == 0.0) & (yi * 0.0 == 0.0)
        plsc.addupdate_scatter(occ_v, [rowbase + (3 * NG + 3)], -ones, mask=selfm)

    pltpu.sync_copy(occ_v, occ_hbm.at[pl.ds(wid * IPW * OCW, IPW * OCW)])


def _occupancy_sc(obs_t):
    mesh = plsc.VectorSubcoreMesh(core_axis_name="core", subcore_axis_name="subcore")
    k = pl.kernel(
        _hist_body,
        out_type=jax.ShapeDtypeStruct((NSC * OCW,), jnp.float32),
        mesh=mesh,
        scratch_types=[
            pltpu.VMEM((N,), jnp.float32),
            pltpu.VMEM((N,), jnp.float32),
            pltpu.VMEM((IPW * OCW,), jnp.float32),
            pltpu.SemaphoreType.DMA,
        ],
        compiler_params=_cp,
    )
    return k(obs_t)


def _embed_kernel(prev_ref, occ_ref, wt_ref, b_ref, out_ref):
    del prev_ref
    out_ref[...] = (
        jnp.dot(occ_ref[...], wt_ref[...], preferred_element_type=jnp.float32)
        + b_ref[...]
    )


@jax.jit
def kernel(hidden_state, obs1, obs2, W, b):
    del hidden_state, obs1
    obs_t = obs2.T
    wt = jnp.zeros((OCW, HD), jnp.float32).at[:NB].set(W.T)
    b_row = b.reshape(1, HD)

    occ_sc = _occupancy_sc(obs_t).reshape(NSC, OCW)

    out_tc = pl.pallas_call(
        _pool_kernel,
        grid=(SPLIT // BI,),
        in_specs=[
            pl.BlockSpec((BI, 2), lambda i: (i, 0)),
            pl.BlockSpec((2, N), lambda i: (0, 0)),
            pl.BlockSpec((ROWW, HD), lambda i: (0, 0)),
            pl.BlockSpec((1, HD), lambda i: (0, 0)),
        ],
        out_specs=pl.BlockSpec((BI, HD), lambda i: (i, 0)),
        out_shape=jax.ShapeDtypeStruct((N, HD), jnp.float32),
    )(obs2[:SPLIT], obs_t, wt, b_row)

    out = pl.pallas_call(
        _embed_kernel,
        grid=(NSC // BM,),
        in_specs=[
            pl.BlockSpec((BM, HD), lambda i: (i + SPLIT // BM, 0)),
            pl.BlockSpec((BM, OCW), lambda i: (i, 0)),
            pl.BlockSpec((OCW, HD), lambda i: (0, 0)),
            pl.BlockSpec((1, HD), lambda i: (0, 0)),
        ],
        out_specs=pl.BlockSpec((BM, HD), lambda i: (i + SPLIT // BM, 0)),
        out_shape=jax.ShapeDtypeStruct((N, HD), jnp.float32),
        input_output_aliases={0: 0},
    )(out_tc, occ_sc, wt, b_row)

    return out

# --- scband reference (transcript-rebuilt; emitter-appended) ---
"""Pipeline reference for scband-pooling-8151847928044 (READ-ONLY COPY).

The authoritative reference and input builder live on the scoring server;
editing this copy changes nothing except your own understanding.
"""

import jax, jax.numpy as jnp
import numpy as np

CELL_SIDE = 1.0
N_GRID = 6
HIDDEN_DIM = 128
N_AGENTS = 4096


def setup_inputs(seed: int = 0) -> dict:
    key = jax.random.key(seed)
    k1, k2, k3, k4, k5 = jax.random.split(key, 5)
    hidden_state = jax.random.normal(k1, (N_AGENTS, HIDDEN_DIM), dtype=jnp.float32)
    obs1 = jax.random.normal(k2, (N_AGENTS, 2), dtype=jnp.float32)
    obs2 = jax.random.normal(k3, (N_AGENTS, 2), dtype=jnp.float32)
    # embedding: Linear(n*n*pooling_dim=36 -> hidden_dim=128)
    W = jax.random.normal(k4, (HIDDEN_DIM, N_GRID * N_GRID), dtype=jnp.float32) * 0.1
    b = jax.random.normal(k5, (HIDDEN_DIM,), dtype=jnp.float32) * 0.1
    return {"hidden_state": hidden_state, "obs1": obs1, "obs2": obs2, "W": W, "b": b}


def _occupancy_grid(obs2):
    # Vectorized, faithful version of Pooling.occupancies with type_='occupancy'
    # (pooling_dim=1, other_values = ones). For each agent i, bin all other
    # agents j != i into an n x n grid centered on agent i via scatter-add.
    n = N_GRID
    N = obs2.shape[0]
    # pairwise offsets: diff[i, j] = obs2[j] - obs2[i]
    diff = obs2[None, :, :] - obs2[:, None, :]  # [N, N, 2]
    oij = diff / CELL_SIDE + n / 2.0  # [N, N, 2]
    in_range = jnp.all((oij >= 0) & (oij < n), axis=-1)  # [N, N]
    not_self = ~jnp.eye(N, dtype=bool)
    not_nan = ~jnp.isnan(obs2[:, 0])  # mask torch applies to other_xy (and xy itself)
    valid = in_range & not_self & not_nan[None, :] & not_nan[:, None]  # [N, N]
    oij_int = jnp.floor(oij).astype(jnp.int32)
    oi = oij_int[..., 0] * n + oij_int[..., 1]  # [N, N]
    oi = jnp.where(valid, oi, 0)
    vals = valid.astype(jnp.float32)  # other_values = ones, masked
    rows = jnp.broadcast_to(jnp.arange(N)[:, None], (N, N))
    occ = jnp.zeros((N, n * n), dtype=jnp.float32).at[rows, oi].add(vals)
    return occ  # [N, n*n] == occ.view(-1) stacked over agents


def reference(hidden_state, obs1, obs2, W, b):
    grid = _occupancy_grid(obs2)  # [N, 36]
    return grid @ W.T + b  # [N, 128]

if __name__ == "__main__":
    import jax
    _d = setup_inputs()
    print(jax.jit(kernel)(*tuple(_d.values())))

</pallas_src>

<mosaic_0001>
#map = affine_map<(d0, d1) -> (0, 0)>
#map1 = affine_map<(d0, d1) -> (0)>
module attributes {stable_mosaic.version = 14 : i64} {
  func.func @_hist_body(%arg0: i32, %arg1: i32, %arg2: memref<2x4096xf32, #tpu.memory_space<hbm>>, %arg3: memref<196608xf32, #tpu.memory_space<hbm>>, %arg4: memref<4096xf32, #tpu.memory_space<vmem>>, %arg5: memref<4096xf32, #tpu.memory_space<vmem>>, %arg6: memref<6144xf32, #tpu.memory_space<vmem>>, %arg7: memref<!tpu.dma_semaphore, #tpu.memory_space<semaphore_mem>>) attributes {dimension_semantics = [#tpu.dimension_semantics<core_parallel>, #tpu.dimension_semantics<subcore_parallel>], iteration_bounds = array<i64: 2, 16>, scalar_prefetch = 0 : i64, scratch_operands = 4 : i64, tpu.core_type = #tpu.core_type<sc_vector_subcore>, window_params = [{transform_indices = #map}, {transform_indices = #map1}]} {
    %mul3A = arith.constant 16 : i32
    %mul3A_0 = arith.muli %arg0, %mul3A : i32
    %add3A = arith.addi %mul3A_0, %arg1 : i32
    %mul3A_1 = arith.constant 48 : i32
    %mul3A_2 = arith.muli %add3A, %mul3A_1 : i32
    %add3A_3 = arith.constant 2560 : i32
    %add3A_4 = arith.addi %add3A_3, %mul3A_2 : i32
    %dma_start3A = arith.constant 0 : i32
    %dma_start3A_5 = arith.constant 0 : i32
    %dma_start3A_6 = tpu.memref_slice %arg2[%dma_start3A, %dma_start3A_5] : memref<2x4096xf32, #tpu.memory_space<hbm>> -> memref<1x4096xf32, #tpu.memory_space<hbm>>
    %dma_start3A_7 = tpu.memref_squeeze %dma_start3A_6 : memref<1x4096xf32, #tpu.memory_space<hbm>> -> memref<4096xf32, #tpu.memory_space<hbm>>
    %dma_start3A_8 = arith.constant 0 : i32
    %dma_start3A_9 = tpu.memref_slice %arg2[%dma_start3A, %dma_start3A_8] : memref<2x4096xf32, #tpu.memory_space<hbm>> -> memref<1x4096xf32, #tpu.memory_space<hbm>>
    %dma_start3A_10 = tpu.memref_squeeze %dma_start3A_9 : memref<1x4096xf32, #tpu.memory_space<hbm>> -> memref<4096xf32, #tpu.memory_space<hbm>>
    tpu.enqueue_dma source(%dma_start3A_10 : memref<4096xf32, #tpu.memory_space<hbm>>) target(%arg4 : memref<4096xf32, #tpu.memory_space<vmem>>) target_semaphore(%arg7 : memref<!tpu.dma_semaphore, #tpu.memory_space<semaphore_mem>>)
    %dma_start3A_11 = arith.constant 1 : i32
    %dma_start3A_12 = arith.constant 0 : i32
    %dma_start3A_13 = tpu.memref_slice %arg2[%dma_start3A_11, %dma_start3A_12] : memref<2x4096xf32, #tpu.memory_space<hbm>> -> memref<1x4096xf32, #tpu.memory_space<hbm>>
    %dma_start3A_14 = tpu.memref_squeeze %dma_start3A_13 : memref<1x4096xf32, #tpu.memory_space<hbm>> -> memref<4096xf32, #tpu.memory_space<hbm>>
    %dma_start3A_15 = arith.constant 0 : i32
    %dma_start3A_16 = tpu.memref_slice %arg2[%dma_start3A_11, %dma_start3A_15] : memref<2x4096xf32, #tpu.memory_space<hbm>> -> memref<1x4096xf32, #tpu.memory_space<hbm>>
    %dma_start3A_17 = tpu.memref_squeeze %dma_start3A_16 : memref<1x4096xf32, #tpu.memory_space<hbm>> -> memref<4096xf32, #tpu.memory_space<hbm>>
    tpu.enqueue_dma source(%dma_start3A_17 : memref<4096xf32, #tpu.memory_space<hbm>>) target(%arg5 : memref<4096xf32, #tpu.memory_space<vmem>>) target_semaphore(%arg7 : memref<!tpu.dma_semaphore, #tpu.memory_space<semaphore_mem>>)
    %broadcast_in_dim3A = arith.constant 0.000000e+00 : f32
    %broadcast_in_dim3A_18 = vector.broadcast %broadcast_in_dim3A : f32 to vector<16xf32>
    %scan3A = arith.constant 0 : i32
    %scan3A_19 = arith.constant 384 : i32
    %scan3A_20 = arith.addi %scan3A, %scan3A_19 : i32
    %scan3A_21 = arith.constant 1 : i32
    scf.for %scan3A_47 = %scan3A to %scan3A_20 step %scan3A_21  : i32 {
      %mul3A_48 = arith.constant 16 : i32
      %mul3A_49 = arith.muli %scan3A_47, %mul3A_48 : i32
      %add3A_50 = arith.constant 0 : i32
      %add3A_51 = arith.addi %add3A_50, %mul3A_49 : i32
      %swap3A = arith.index_cast %add3A_51 : i32 to index
      %swap3A_52 = tpu.vector_load %arg6[%swap3A] {strides = array<i32>} : memref<6144xf32, #tpu.memory_space<vmem>>, vector<16xf32>,
      tpu.vector_store %arg6[%swap3A], %broadcast_in_dim3A_18 {strides = array<i32>} : memref<6144xf32, #tpu.memory_space<vmem>>, vector<16xf32>,
    }
    %scan3A_22 = arith.constant 384 : i32
    %dma_wait3A = arith.constant 0 : i32
    %dma_wait3A_23 = arith.constant 0 : i32
    %dma_wait3A_24 = tpu.memref_slice %arg2[%dma_wait3A, %dma_wait3A_23] : memref<2x4096xf32, #tpu.memory_space<hbm>> -> memref<1x4096xf32, #tpu.memory_space<hbm>>
    %dma_wait3A_25 = tpu.memref_squeeze %dma_wait3A_24 : memref<1x4096xf32, #tpu.memory_space<hbm>> -> memref<4096xf32, #tpu.memory_space<hbm>>
    %dma_wait3A_26 = arith.constant 0 : i32
    %dma_wait3A_27 = tpu.memref_slice %arg2[%dma_wait3A, %dma_wait3A_26] : memref<2x4096xf32, #tpu.memory_space<hbm>> -> memref<1x4096xf32, #tpu.memory_space<hbm>>
    %dma_wait3A_28 = tpu.memref_squeeze %dma_wait3A_27 : memref<1x4096xf32, #tpu.memory_space<hbm>> -> memref<4096xf32, #tpu.memory_space<hbm>>
    tpu.wait_dma2 semaphore(%arg7 : memref<!tpu.dma_semaphore, #tpu.memory_space<semaphore_mem>>) src(%dma_wait3A_28 : memref<4096xf32, #tpu.memory_space<hbm>>) dst(%arg4 : memref<4096xf32, #tpu.memory_space<vmem>>)
    %dma_wait3A_29 = arith.constant 1 : i32
    %dma_wait3A_30 = arith.constant 0 : i32
    %dma_wait3A_31 = tpu.memref_slice %arg2[%dma_wait3A_29, %dma_wait3A_30] : memref<2x4096xf32, #tpu.memory_space<hbm>> -> memref<1x4096xf32, #tpu.memory_space<hbm>>
    %dma_wait3A_32 = tpu.memref_squeeze %dma_wait3A_31 : memref<1x4096xf32, #tpu.memory_space<hbm>> -> memref<4096xf32, #tpu.memory_space<hbm>>
    %dma_wait3A_33 = arith.constant 0 : i32
    %dma_wait3A_34 = tpu.memref_slice %arg2[%dma_wait3A_29, %dma_wait3A_33] : memref<2x4096xf32, #tpu.memory_space<hbm>> -> memref<1x4096xf32, #tpu.memory_space<hbm>>
    %dma_wait3A_35 = tpu.memref_squeeze %dma_wait3A_34 : memref<1x4096xf32, #tpu.memory_space<hbm>> -> memref<4096xf32, #tpu.memory_space<hbm>>
    tpu.wait_dma2 semaphore(%arg7 : memref<!tpu.dma_semaphore, #tpu.memory_space<semaphore_mem>>) src(%dma_wait3A_35 : memref<4096xf32, #tpu.memory_space<hbm>>) dst(%arg5 : memref<4096xf32, #tpu.memory_space<vmem>>)
    %iota3A = tpu.iota {dimensions = array<i32: 0>} : vector<16xi32>
    %broadcast_in_dim3A_36 = arith.constant 1.000000e+00 : f32
    %broadcast_in_dim3A_37 = vector.broadcast %broadcast_in_dim3A_36 : f32 to vector<16xf32>
    %scan3A_38 = arith.constant 0 : i32
    %scan3A_39 = arith.constant 3 : i32
    %scan3A_40 = arith.addi %scan3A_38, %scan3A_39 : i32
    %scan3A_41 = arith.constant 1 : i32
    scf.for %scan3A_47 = %scan3A_38 to %scan3A_40 step %scan3A_41  : i32 {
      %mul3A_48 = arith.constant 16 : i32
      %mul3A_49 = arith.muli %scan3A_47, %mul3A_48 : i32
      %add3A_50 = arith.constant 0 : i32
      %add3A_51 = arith.addi %add3A_50, %mul3A_49 : i32
      %add3A_52 = arith.addi %add3A_4, %add3A_51 : i32
      %get3A = arith.index_cast %add3A_52 : i32 to index
      %get3A_53 = tpu.vector_load %arg4[%get3A] {strides = array<i32>} : memref<4096xf32, #tpu.memory_space<vmem>>, vector<16xf32>,
      %add3A_54 = arith.addi %add3A_4, %add3A_51 : i32
      %get3A_55 = arith.index_cast %add3A_54 : i32 to index
      %get3A_56 = tpu.vector_load %arg5[%get3A_55] {strides = array<i32>} : memref<4096xf32, #tpu.memory_space<vmem>>, vector<16xf32>,
      %add3A_57 = vector.broadcast %add3A_51 : i32 to vector<16xi32>
      %add3A_58 = arith.addi %add3A_57, %iota3A : vector<16xi32>
      %mul3A_59 = arith.constant 128 : i32
      %mul3A_60 = vector.broadcast %mul3A_59 : i32 to vector<16xi32>
      %mul3A_61 = arith.muli %add3A_58, %mul3A_60 : vector<16xi32>
      %scan3A_62 = arith.constant 0 : i32
      %scan3A_63 = arith.constant 256 : i32
      %scan3A_64 = arith.addi %scan3A_62, %scan3A_63 : i32
      %scan3A_65 = arith.constant 1 : i32
      scf.for %scan3A_83 = %scan3A_62 to %scan3A_64 step %scan3A_65  : i32 {
        %mul3A_84 = arith.constant 16 : i32
        %mul3A_85 = arith.muli %scan3A_83, %mul3A_84 : i32
        %add3A_86 = arith.constant 0 : i32
        %add3A_87 = arith.addi %add3A_86, %mul3A_85 : i32
        %get3A_88 = arith.index_cast %add3A_87 : i32 to index
        %get3A_89 = tpu.vector_load %arg4[%get3A_88] {strides = array<i32>} : memref<4096xf32, #tpu.memory_space<vmem>>, vector<16xf32>,
        %get3A_90 = arith.index_cast %add3A_87 : i32 to index
        %get3A_91 = tpu.vector_load %arg5[%get3A_90] {strides = array<i32>} : memref<4096xf32, #tpu.memory_space<vmem>>, vector<16xf32>,
        %slice3A = vector.extract_strided_slice %get3A_89 {offsets = [0], sizes = [1], strides = [1]} : vector<16xf32> to vector<1xf32>
        %squeeze3A = vector.extract %slice3A[0] : f32 from vector<1xf32>
        %sub3A = vector.broadcast %squeeze3A : f32 to vector<16xf32>
        %sub3A_92 = arith.subf %sub3A, %get3A_53 : vector<16xf32>
        %add3A_93 = arith.constant 3.000000e+00 : f32
        %add3A_94 = vector.broadcast %add3A_93 : f32 to vector<16xf32>
        %add3A_95 = arith.addf %sub3A_92, %add3A_94 : vector<16xf32>
        %slice3A_96 = vector.extract_strided_slice %get3A_91 {offsets = [0], sizes = [1], strides = [1]} : vector<16xf32> to vector<1xf32>
        %squeeze3A_97 = vector.extract %slice3A_96[0] : f32 from vector<1xf32>
        %sub3A_98 = vector.broadcast %squeeze3A_97 : f32 to vector<16xf32>
        %sub3A_99 = arith.subf %sub3A_98, %get3A_56 : vector<16xf32>
        %add3A_100 = arith.constant 3.000000e+00 : f32
        %add3A_101 = vector.broadcast %add3A_100 : f32 to vector<16xf32>
        %add3A_102 = arith.addf %sub3A_99, %add3A_101 : vector<16xf32>
        %min3A = arith.minimumf %add3A_95, %add3A_102 : vector<16xf32>
        %ge3A = arith.constant 0.000000e+00 : f32
        %ge3A_103 = vector.broadcast %ge3A : f32 to vector<16xf32>
        %ge3A_104 = arith.cmpf oge, %min3A, %ge3A_103 : vector<16xf32>
        %max3A = arith.maximumf %add3A_95, %add3A_102 : vector<16xf32>
        %lt3A = arith.constant 6.000000e+00 : f32
        %lt3A_105 = vector.broadcast %lt3A : f32 to vector<16xf32>
        %lt3A_106 = arith.cmpf olt, %max3A, %lt3A_105 : vector<16xf32>
        %and3A_107 = arith.andi %ge3A_104, %lt3A_106 : vector<16xi1>
        %convert_element_type3A = arith.fptosi %add3A_95 : vector<16xf32> to vector<16xi32>
        %convert_element_type3A_108 = arith.fptosi %add3A_102 : vector<16xf32> to vector<16xi32>
        %mul3A_109 = arith.constant 6 : i32
        %mul3A_110 = vector.broadcast %mul3A_109 : i32 to vector<16xi32>
        %mul3A_111 = arith.muli %convert_element_type3A, %mul3A_110 : vector<16xi32>
        %add3A_112 = arith.addi %mul3A_111, %convert_element_type3A_108 : vector<16xi32>
        %add3A_113 = arith.addi %mul3A_61, %add3A_112 : vector<16xi32>
        tpu.vector_store_idx %arg6[%add3A_113], %broadcast_in_dim3A_37 masked %and3A_107 {add = true} : memref<6144xf32, #tpu.memory_space<vmem>>[vector<16xi32>], vector<16xf32>, vector<16xi1>
        %slice3A_114 = vector.extract_strided_slice %get3A_89 {offsets = [1], sizes = [1], strides = [1]} : vector<16xf32> to vector<1xf32>
        %squeeze3A_115 = vector.extract %slice3A_114[0] : f32 from vector<1xf32>
        %sub3A_116 = vector.broadcast %squeeze3A_115 : f32 to vector<16xf32>
        %sub3A_117 = arith.subf %sub3A_116, %get3A_53 : vector<16xf32>
        %add3A_118 = arith.constant 3.000000e+00 : f32
        %add3A_119 = vector.broadcast %add3A_118 : f32 to vector<16xf32>
        %add3A_120 = arith.addf %sub3A_117, %add3A_119 : vector<16xf32>
        %slice3A_121 = vector.extract_strided_slice %get3A_91 {offsets = [1], sizes = [1], strides = [1]} : vector<16xf32> to vector<1xf32>
        %squeeze3A_122 = vector.extract %slice3A_121[0] : f32 from vector<1xf32>
        %sub3A_123 = vector.broadcast %squeeze3A_122 : f32 to vector<16xf32>
        %sub3A_124 = arith.subf %sub3A_123, %get3A_56 : vector<16xf32>
        %add3A_125 = arith.constant 3.000000e+00 : f32
        %add3A_126 = vector.broadcast %add3A_125 : f32 to vector<16xf32>
        %add3A_127 = arith.addf %sub3A_124, %add3A_126 : vector<16xf32>
        %min3A_128 = arith.minimumf %add3A_120, %add3A_127 : vector<16xf32>
        %ge3A_129 = arith.constant 0.000000e+00 : f32
        %ge3A_130 = vector.broadcast %ge3A_129 : f32 to vector<16xf32>
        %ge3A_131 = arith.cmpf oge, %min3A_128, %ge3A_130 : vector<16xf32>
        %max3A_132 = arith.maximumf %add3A_120, %add3A_127 : vector<16xf32>
        %lt3A_133 = arith.constant 6.000000e+00 : f32
        %lt3A_134 = vector.broadcast %lt3A_133 : f32 to vector<16xf32>
        %lt3A_135 = arith.cmpf olt, %max3A_132, %lt3A_134 : vector<16xf32>
        %and3A_136 = arith.andi %ge3A_131, %lt3A_135 : vector<16xi1>
        %convert_element_type3A_137 = arith.fptosi %add3A_120 : vector<16xf32> to vector<16xi32>
        %convert_element_type3A_138 = arith.fptosi %add3A_127 : vector<16xf32> to vector<16xi32>
        %mul3A_139 = arith.constant 6 : i32
        %mul3A_140 = vector.broadcast %mul3A_139 : i32 to vector<16xi32>
        %mul3A_141 = arith.muli %convert_element_type3A_137, %mul3A_140 : vector<16xi32>
        %add3A_142 = arith.addi %mul3A_141, %convert_element_type3A_138 : vector<16xi32>
        %add3A_143 = arith.addi %mul3A_61, %add3A_142 : vector<16xi32>
        tpu.vector_store_idx %arg6[%add3A_143], %broadcast_in_dim3A_37 masked %and3A_136 {add = true} : memref<6144xf32, #tpu.memory_space<vmem>>[vector<16xi32>], vector<16xf32>, vector<16xi1>
        %slice3A_144 = vector.extract_strided_slice %get3A_89 {offsets = [2], sizes = [1], strides = [1]} : vector<16xf32> to vector<1xf32>
        %squeeze3A_145 = vector.extract %slice3A_144[0] : f32 from vector<1xf32>
        %sub3A_146 = vector.broadcast %squeeze3A_145 : f32 to vector<16xf32>
        %sub3A_147 = arith.subf %sub3A_146, %get3A_53 : vector<16xf32>
        %add3A_148 = arith.constant 3.000000e+00 : f32
        %add3A_149 = vector.broadcast %add3A_148 : f32 to vector<16xf32>
        %add3A_150 = arith.addf %sub3A_147, %add3A_149 : vector<16xf32>
        %slice3A_151 = vector.extract_strided_slice %get3A_91 {offsets = [2], sizes = [1], strides = [1]} : vector<16xf32> to vector<1xf32>
        %squeeze3A_152 = vector.extract %slice3A_151[0] : f32 from vector<1xf32>
        %sub3A_153 = vector.broadcast %squeeze3A_152 : f32 to vector<16xf32>
        %sub3A_154 = arith.subf %sub3A_153, %get3A_56 : vector<16xf32>
        %add3A_155 = arith.constant 3.000000e+00 : f32
        %add3A_156 = vector.broadcast %add3A_155 : f32 to vector<16xf32>
        %add3A_157 = arith.addf %sub3A_154, %add3A_156 : vector<16xf32>
        %min3A_158 = arith.minimumf %add3A_150, %add3A_157 : vector<16xf32>
        %ge3A_159 = arith.constant 0.000000e+00 : f32
        %ge3A_160 = vector.broadcast %ge3A_159 : f32 to vector<16xf32>
        %ge3A_161 = arith.cmpf oge, %min3A_158, %ge3A_160 : vector<16xf32>
        %max3A_162 = arith.maximumf %add3A_150, %add3A_157 : vector<16xf32>
        %lt3A_163 = arith.constant 6.000000e+00 : f32
        %lt3A_164 = vector.broadcast %lt3A_163 : f32 to vector<16xf32>
        %lt3A_165 = arith.cmpf olt, %max3A_162, %lt3A_164 : vector<16xf32>
        %and3A_166 = arith.andi %ge3A_161, %lt3A_165 : vector<16xi1>
        %convert_element_type3A_167 = arith.fptosi %add3A_150 : vector<16xf32> to vector<16xi32>
        %convert_element_type3A_168 = arith.fptosi %add3A_157 : vector<16xf32> to vector<16xi32>
        %mul3A_169 = arith.constant 6 : i32
        %mul3A_170 = vector.broadcast %mul3A_169 : i32 to vector<16xi32>
        %mul3A_171 = arith.muli %convert_element_type3A_167, %mul3A_170 : vector<16xi32>
        %add3A_172 = arith.addi %mul3A_171, %convert_element_type3A_168 : vector<16xi32>
        %add3A_173 = arith.addi %mul3A_61, %add3A_172 : vector<16xi32>
        tpu.vector_store_idx %arg6[%add3A_173], %broadcast_in_dim3A_37 masked %and3A_166 {add = true} : memref<6144xf32, #tpu.memory_space<vmem>>[vector<16xi32>], vector<16xf32>, vector<16xi1>
        %slice3A_174 = vector.extract_strided_slice %get3A_89 {offsets = [3], sizes = [1], strides = [1]} : vector<16xf32> to vector<1xf32>
        %squeeze3A_175 = vector.extract %slice3A_174[0] : f32 from vector<1xf32>
        %sub3A_176 = vector.broadcast %squeeze3A_175 : f32 to vector<16xf32>
        %sub3A_177 = arith.subf %sub3A_176, %get3A_53 : vector<16xf32>
        %add3A_178 = arith.constant 3.000000e+00 : f32
        %add3A_179 = vector.broadcast %add3A_178 : f32 to vector<16xf32>
        %add3A_180 = arith.addf %sub3A_177, %add3A_179 : vector<16xf32>
        %slice3A_181 = vector.extract_strided_slice %get3A_91 {offsets = [3], sizes = [1], strides = [1]} : vector<16xf32> to vector<1xf32>
        %squeeze3A_182 = vector.extract %slice3A_181[0] : f32 from vector<1xf32>
        %sub3A_183 = vector.broadcast %squeeze3A_182 : f32 to vector<16xf32>
        %sub3A_184 = arith.subf %sub3A_183, %get3A_56 : vector<16xf32>
        %add3A_185 = arith.constant 3.000000e+00 : f32
        %add3A_186 = vector.broadcast %add3A_185 : f32 to vector<16xf32>
        %add3A_187 = arith.addf %sub3A_184, %add3A_186 : vector<16xf32>
        %min3A_188 = arith.minimumf %add3A_180, %add3A_187 : vector<16xf32>
        %ge3A_189 = arith.constant 0.000000e+00 : f32
        %ge3A_190 = vector.broadcast %ge3A_189 : f32 to vector<16xf32>
        %ge3A_191 = arith.cmpf oge, %min3A_188, %ge3A_190 : vector<16xf32>
        %max3A_192 = arith.maximumf %add3A_180, %add3A_187 : vector<16xf32>
        %lt3A_193 = arith.constant 6.000000e+00 : f32
        %lt3A_194 = vector.broadcast %lt3A_193 : f32 to vector<16xf32>
        %lt3A_195 = arith.cmpf olt, %max3A_192, %lt3A_194 : vector<16xf32>
        %and3A_196 = arith.andi %ge3A_191, %lt3A_195 : vector<16xi1>
        %convert_element_type3A_197 = arith.fptosi %add3A_180 : vector<16xf32> to vector<16xi32>
        %convert_element_type3A_198 = arith.fptosi %add3A_187 : vector<16xf32> to vector<16xi32>
        %mul3A_199 = arith.constant 6 : i32
        %mul3A_200 = vector.broadcast %mul3A_199 : i32 to vector<16xi32>
        %mul3A_201 = arith.muli %convert_element_type3A_197, %mul3A_200 : vector<16xi32>
        %add3A_202 = arith.addi %mul3A_201, %convert_element_type3A_198 : vector<16xi32>
        %add3A_203 = arith.addi %mul3A_61, %add3A_202 : vector<16xi32>
        tpu.vector_store_idx %arg6[%add3A_203], %broadcast_in_dim3A_37 masked %and3A_196 {add = true} : memref<6144xf32, #tpu.memory_space<vmem>>[vector<16xi32>], vector<16xf32>, vector<16xi1>
        %slice3A_204 = vector.extract_strided_slice %get3A_89 {offsets = [4], sizes = [1], strides = [1]} : vector<16xf32> to vector<1xf32>
        %squeeze3A_205 = vector.extract %slice3A_204[0] : f32 from vector<1xf32>
        %sub3A_206 = vector.broadcast %squeeze3A_205 : f32 to vector<16xf32>
        %sub3A_207 = arith.subf %sub3A_206, %get3A_53 : vector<16xf32>
        %add3A_208 = arith.constant 3.000000e+00 : f32
        %add3A_209 = vector.broadcast %add3A_208 : f32 to vector<16xf32>
        %add3A_210 = arith.addf %sub3A_207, %add3A_209 : vector<16xf32>
        %slice3A_211 = vector.extract_strided_slice %get3A_91 {offsets = [4], sizes = [1], strides = [1]} : vector<16xf32> to vector<1xf32>
        %squeeze3A_212 = vector.extract %slice3A_211[0] : f32 from vector<1xf32>
        %sub3A_213 = vector.broadcast %squeeze3A_212 : f32 to vector<16xf32>
        %sub3A_214 = arith.subf %sub3A_213, %get3A_56 : vector<16xf32>
        %add3A_215 = arith.constant 3.000000e+00 : f32
        %add3A_216 = vector.broadcast %add3A_215 : f32 to vector<16xf32>
        %add3A_217 = arith.addf %sub3A_214, %add3A_216 : vector<16xf32>
        %min3A_218 = arith.minimumf %add3A_210, %add3A_217 : vector<16xf32>
        %ge3A_219 = arith.constant 0.000000e+00 : f32
        %ge3A_220 = vector.broadcast %ge3A_219 : f32 to vector<16xf32>
        %ge3A_221 = arith.cmpf oge, %min3A_218, %ge3A_220 : vector<16xf32>
        %max3A_222 = arith.maximumf %add3A_210, %add3A_217 : vector<16xf32>
        %lt3A_223 = arith.constant 6.000000e+00 : f32
        %lt3A_224 = vector.broadcast %lt3A_223 : f32 to vector<16xf32>
        %lt3A_225 = arith.cmpf olt, %max3A_222, %lt3A_224 : vector<16xf32>
        %and3A_226 = arith.andi %ge3A_221, %lt3A_225 : vector<16xi1>
        %convert_element_type3A_227 = arith.fptosi %add3A_210 : vector<16xf32> to vector<16xi32>
        %convert_element_type3A_228 = arith.fptosi %add3A_217 : vector<16xf32> to vector<16xi32>
        %mul3A_229 = arith.constant 6 : i32
        %mul3A_230 = vector.broadcast %mul3A_229 : i32 to vector<16xi32>
        %mul3A_231 = arith.muli %convert_element_type3A_227, %mul3A_230 : vector<16xi32>
        %add3A_232 = arith.addi %mul3A_231, %convert_element_type3A_228 : vector<16xi32>
        %add3A_233 = arith.addi %mul3A_61, %add3A_232 : vector<16xi32>
        tpu.vector_store_idx %arg6[%add3A_233], %broadcast_in_dim3A_37 masked %and3A_226 {add = true} : memref<6144xf32, #tpu.memory_space<vmem>>[vector<16xi32>], vector<16xf32>, vector<16xi1>
        %slice3A_234 = vector.extract_strided_slice %get3A_89 {offsets = [5], sizes = [1], strides = [1]} : vector<16xf32> to vector<1xf32>
        %squeeze3A_235 = vector.extract %slice3A_234[0] : f32 from vector<1xf32>
        %sub3A_236 = vector.broadcast %squeeze3A_235 : f32 to vector<16xf32>
        %sub3A_237 = arith.subf %sub3A_236, %get3A_53 : vector<16xf32>
        %add3A_238 = arith.constant 3.000000e+00 : f32
        %add3A_239 = vector.broadcast %add3A_238 : f32 to vector<16xf32>
        %add3A_240 = arith.addf %sub3A_237, %add3A_239 : vector<16xf32>
        %slice3A_241 = vector.extract_strided_slice %get3A_91 {offsets = [5], sizes = [1], strides = [1]} : vector<16xf32> to vector<1xf32>
        %squeeze3A_242 = vector.extract %slice3A_241[0] : f32 from vector<1xf32>
        %sub3A_243 = vector.broadcast %squeeze3A_242 : f32 to vector<16xf32>
        %sub3A_244 = arith.subf %sub3A_243, %get3A_56 : vector<16xf32>
        %add3A_245 = arith.constant 3.000000e+00 : f32
        %add3A_246 = vector.broadcast %add3A_245 : f32 to vector<16xf32>
        %add3A_247 = arith.addf %sub3A_244, %add3A_246 : vector<16xf32>
        %min3A_248 = arith.minimumf %add3A_240, %add3A_247 : vector<16xf32>
        %ge3A_249 = arith.constant 0.000000e+00 : f32
        %ge3A_250 = vector.broadcast %ge3A_249 : f32 to vector<16xf32>
        %ge3A_251 = arith.cmpf oge, %min3A_248, %ge3A_250 : vector<16xf32>
        %max3A_252 = arith.maximumf %add3A_240, %add3A_247 : vector<16xf32>
        %lt3A_253 = arith.constant 6.000000e+00 : f32
        %lt3A_254 = vector.broadcast %lt3A_253 : f32 to vector<16xf32>
        %lt3A_255 = arith.cmpf olt, %max3A_252, %lt3A_254 : vector<16xf32>
        %and3A_256 = arith.andi %ge3A_251, %lt3A_255 : vector<16xi1>
        %convert_element_type3A_257 = arith.fptosi %add3A_240 : vector<16xf32> to vector<16xi32>
        %convert_element_type3A_258 = arith.fptosi %add3A_247 : vector<16xf32> to vector<16xi32>
        %mul3A_259 = arith.constant 6 : i32
        %mul3A_260 = vector.broadcast %mul3A_259 : i32 to vector<16xi32>
        %mul3A_261 = arith.muli %convert_element_type3A_257, %mul3A_260 : vector<16xi32>
        %add3A_262 = arith.addi %mul3A_261, %convert_element_type3A_258 : vector<16xi32>
        %add3A_263 = arith.addi %mul3A_61, %add3A_262 : vector<16xi32>
        tpu.vector_store_idx %arg6[%add3A_263], %broadcast_in_dim3A_37 masked %and3A_256 {add = true} : memref<6144xf32, #tpu.memory_space<vmem>>[vector<16xi32>], vector<16xf32>, vector<16xi1>
        %slice3A_264 = vector.extract_strided_slice %get3A_89 {offsets = [6], sizes = [1], strides = [1]} : vector<16xf32> to vector<1xf32>
        %squeeze3A_265 = vector.extract %slice3A_264[0] : f32 from vector<1xf32>
        %sub3A_266 = vector.broadcast %squeeze3A_265 : f32 to vector<16xf32>
        %sub3A_267 = arith.subf %sub3A_266, %get3A_53 : vector<16xf32>
        %add3A_268 = arith.constant 3.000000e+00 : f32
        %add3A_269 = vector.broadcast %add3A_268 : f32 to vector<16xf32>
        %add3A_270 = arith.addf %sub3A_267, %add3A_269 : vector<16xf32>
        %slice3A_271 = vector.extract_strided_slice %get3A_91 {offsets = [6], sizes = [1], strides = [1]} : vector<16xf32> to vector<1xf32>
        %squeeze3A_272 = vector.extract %slice3A_271[0] : f32 from vector<1xf32>
        %sub3A_273 = vector.broadcast %squeeze3A_272 : f32 to vector<16xf32>
        %sub3A_274 = arith.subf %sub3A_273, %get3A_56 : vector<16xf32>
        %add3A_275 = arith.constant 3.000000e+00 : f32
        %add3A_276 = vector.broadcast %add3A_275 : f32 to vector<16xf32>
        %add3A_277 = arith.addf %sub3A_274, %add3A_276 : vector<16xf32>
        %min3A_278 = arith.minimumf %add3A_270, %add3A_277 : vector<16xf32>
        %ge3A_279 = arith.constant 0.000000e+00 : f32
        %ge3A_280 = vector.broadcast %ge3A_279 : f32 to vector<16xf32>
        %ge3A_281 = arith.cmpf oge, %min3A_278, %ge3A_280 : vector<16xf32>
        %max3A_282 = arith.maximumf %add3A_270, %add3A_277 : vector<16xf32>
        %lt3A_283 = arith.constant 6.000000e+00 : f32
        %lt3A_284 = vector.broadcast %lt3A_283 : f32 to vector<16xf32>
        %lt3A_285 = arith.cmpf olt, %max3A_282, %lt3A_284 : vector<16xf32>
        %and3A_286 = arith.andi %ge3A_281, %lt3A_285 : vector<16xi1>
        %convert_element_type3A_287 = arith.fptosi %add3A_270 : vector<16xf32> to vector<16xi32>
        %convert_element_type3A_288 = arith.fptosi %add3A_277 : vector<16xf32> to vector<16xi32>
        %mul3A_289 = arith.constant 6 : i32
        %mul3A_290 = vector.broadcast %mul3A_289 : i32 to vector<16xi32>
        %mul3A_291 = arith.muli %convert_element_type3A_287, %mul3A_290 : vector<16xi32>
        %add3A_292 = arith.addi %mul3A_291, %convert_element_type3A_288 : vector<16xi32>
        %add3A_293 = arith.addi %mul3A_61, %add3A_292 : vector<16xi32>
        tpu.vector_store_idx %arg6[%add3A_293], %broadcast_in_dim3A_37 masked %and3A_286 {add = true} : memref<6144xf32, #tpu.memory_space<vmem>>[vector<16xi32>], vector<16xf32>, vector<16xi1>
        %slice3A_294 = vector.extract_strided_slice %get3A_89 {offsets = [7], sizes = [1], strides = [1]} : vector<16xf32> to vector<1xf32>
        %squeeze3A_295 = vector.extract %slice3A_294[0] : f32 from vector<1xf32>
        %sub3A_296 = vector.broadcast %squeeze3A_295 : f32 to vector<16xf32>
        %sub3A_297 = arith.subf %sub3A_296, %get3A_53 : vector<16xf32>
        %add3A_298 = arith.constant 3.000000e+00 : f32
        %add3A_299 = vector.broadcast %add3A_298 : f32 to vector<16xf32>
        %add3A_300 = arith.addf %sub3A_297, %add3A_299 : vector<16xf32>
        %slice3A_301 = vector.extract_strided_slice %get3A_91 {offsets = [7], sizes = [1], strides = [1]} : vector<16xf32> to vector<1xf32>
        %squeeze3A_302 = vector.extract %slice3A_301[0] : f32 from vector<1xf32>
        %sub3A_303 = vector.broadcast %squeeze3A_302 : f32 to vector<16xf32>
        %sub3A_304 = arith.subf %sub3A_303, %get3A_56 : vector<16xf32>
        %add3A_305 = arith.constant 3.000000e+00 : f32
        %add3A_306 = vector.broadcast %add3A_305 : f32 to vector<16xf32>
        %add3A_307 = arith.addf %sub3A_304, %add3A_306 : vector<16xf32>
        %min3A_308 = arith.minimumf %add3A_300, %add3A_307 : vector<16xf32>
        %ge3A_309 = arith.constant 0.000000e+00 : f32
        %ge3A_310 = vector.broadcast %ge3A_309 : f32 to vector<16xf32>
        %ge3A_311 = arith.cmpf oge, %min3A_308, %ge3A_310 : vector<16xf32>
        %max3A_312 = arith.maximumf %add3A_300, %add3A_307 : vector<16xf32>
        %lt3A_313 = arith.constant 6.000000e+00 : f32
        %lt3A_314 = vector.broadcast %lt3A_313 : f32 to vector<16xf32>
        %lt3A_315 = arith.cmpf olt, %max3A_312, %lt3A_314 : vector<16xf32>
        %and3A_316 = arith.andi %ge3A_311, %lt3A_315 : vector<16xi1>
        %convert_element_type3A_317 = arith.fptosi %add3A_300 : vector<16xf32> to vector<16xi32>
        %convert_element_type3A_318 = arith.fptosi %add3A_307 : vector<16xf32> to vector<16xi32>
        %mul3A_319 = arith.constant 6 : i32
        %mul3A_320 = vector.broadcast %mul3A_319 : i32 to vector<16xi32>
        %mul3A_321 = arith.muli %convert_element_type3A_317, %mul3A_320 : vector<16xi32>
        %add3A_322 = arith.addi %mul3A_321, %convert_element_type3A_318 : vector<16xi32>
        %add3A_323 = arith.addi %mul3A_61, %add3A_322 : vector<16xi32>
        tpu.vector_store_idx %arg6[%add3A_323], %broadcast_in_dim3A_37 masked %and3A_316 {add = true} : memref<6144xf32, #tpu.memory_space<vmem>>[vector<16xi32>], vector<16xf32>, vector<16xi1>
        %slice3A_324 = vector.extract_strided_slice %get3A_89 {offsets = [8], sizes = [1], strides = [1]} : vector<16xf32> to vector<1xf32>
        %squeeze3A_325 = vector.extract %slice3A_324[0] : f32 from vector<1xf32>
        %sub3A_326 = vector.broadcast %squeeze3A_325 : f32 to vector<16xf32>
        %sub3A_327 = arith.subf %sub3A_326, %get3A_53 : vector<16xf32>
        %add3A_328 = arith.constant 3.000000e+00 : f32
        %add3A_329 = vector.broadcast %add3A_328 : f32 to vector<16xf32>
        %add3A_330 = arith.addf %sub3A_327, %add3A_329 : vector<16xf32>
        %slice3A_331 = vector.extract_strided_slice %get3A_91 {offsets = [8], sizes = [1], strides = [1]} : vector<16xf32> to vector<1xf32>
        %squeeze3A_332 = vector.extract %slice3A_331[0] : f32 from vector<1xf32>
        %sub3A_333 = vector.broadcast %squeeze3A_332 : f32 to vector<16xf32>
        %sub3A_334 = arith.subf %sub3A_333, %get3A_56 : vector<16xf32>
        %add3A_335 = arith.constant 3.000000e+00 : f32
        %add3A_336 = vector.broadcast %add3A_335 : f32 to vector<16xf32>
        %add3A_337 = arith.addf %sub3A_334, %add3A_336 : vector<16xf32>
        %min3A_338 = arith.minimumf %add3A_330, %add3A_337 : vector<16xf32>
        %ge3A_339 = arith.constant 0.000000e+00 : f32
        %ge3A_340 = vector.broadcast %ge3A_339 : f32 to vector<16xf32>
        %ge3A_341 = arith.cmpf oge, %min3A_338, %ge3A_340 : vector<16xf32>
        %max3A_342 = arith.maximumf %add3A_330, %add3A_337 : vector<16xf32>
        %lt3A_343 = arith.constant 6.000000e+00 : f32
        %lt3A_344 = vector.broadcast %lt3A_343 : f32 to vector<16xf32>
        %lt3A_345 = arith.cmpf olt, %max3A_342, %lt3A_344 : vector<16xf32>
        %and3A_346 = arith.andi %ge3A_341, %lt3A_345 : vector<16xi1>
        %convert_element_type3A_347 = arith.fptosi %add3A_330 : vector<16xf32> to vector<16xi32>
        %convert_element_type3A_348 = arith.fptosi %add3A_337 : vector<16xf32> to vector<16xi32>
        %mul3A_349 = arith.constant 6 : i32
        %mul3A_350 = vector.broadcast %mul3A_349 : i32 to vector<16xi32>
        %mul3A_351 = arith.muli %convert_element_type3A_347, %mul3A_350 : vector<16xi32>
        %add3A_352 = arith.addi %mul3A_351, %convert_element_type3A_348 : vector<16xi32>
        %add3A_353 = arith.addi %mul3A_61, %add3A_352 : vector<16xi32>
        tpu.vector_store_idx %arg6[%add3A_353], %broadcast_in_dim3A_37 masked %and3A_346 {add = true} : memref<6144xf32, #tpu.memory_space<vmem>>[vector<16xi32>], vector<16xf32>, vector<16xi1>
        %slice3A_354 = vector.extract_strided_slice %get3A_89 {offsets = [9], sizes = [1], strides = [1]} : vector<16xf32> to vector<1xf32>
        %squeeze3A_355 = vector.extract %slice3A_354[0] : f32 from vector<1xf32>
        %sub3A_356 = vector.broadcast %squeeze3A_355 : f32 to vector<16xf32>
        %sub3A_357 = arith.subf %sub3A_356, %get3A_53 : vector<16xf32>
        %add3A_358 = arith.constant 3.000000e+00 : f32
        %add3A_359 = vector.broadcast %add3A_358 : f32 to vector<16xf32>
        %add3A_360 = arith.addf %sub3A_357, %add3A_359 : vector<16xf32>
        %slice3A_361 = vector.extract_strided_slice %get3A_91 {offsets = [9], sizes = [1], strides = [1]} : vector<16xf32> to vector<1xf32>
        %squeeze3A_362 = vector.extract %slice3A_361[0] : f32 from vector<1xf32>
        %sub3A_363 = vector.broadcast %squeeze3A_362 : f32 to vector<16xf32>
        %sub3A_364 = arith.subf %sub3A_363, %get3A_56 : vector<16xf32>
        %add3A_365 = arith.constant 3.000000e+00 : f32
        %add3A_366 = vector.broadcast %add3A_365 : f32 to vector<16xf32>
        %add3A_367 = arith.addf %sub3A_364, %add3A_366 : vector<16xf32>
        %min3A_368 = arith.minimumf %add3A_360, %add3A_367 : vector<16xf32>
        %ge3A_369 = arith.constant 0.000000e+00 : f32
        %ge3A_370 = vector.broadcast %ge3A_369 : f32 to vector<16xf32>
        %ge3A_371 = arith.cmpf oge, %min3A_368, %ge3A_370 : vector<16xf32>
        %max3A_372 = arith.maximumf %add3A_360, %add3A_367 : vector<16xf32>
        %lt3A_373 = arith.constant 6.000000e+00 : f32
        %lt3A_374 = vector.broadcast %lt3A_373 : f32 to vector<16xf32>
        %lt3A_375 = arith.cmpf olt, %max3A_372, %lt3A_374 : vector<16xf32>
        %and3A_376 = arith.andi %ge3A_371, %lt3A_375 : vector<16xi1>
        %convert_element_type3A_377 = arith.fptosi %add3A_360 : vector<16xf32> to vector<16xi32>
        %convert_element_type3A_378 = arith.fptosi %add3A_367 : vector<16xf32> to vector<16xi32>
        %mul3A_379 = arith.constant 6 : i32
        %mul3A_380 = vector.broadcast %mul3A_379 : i32 to vector<16xi32>
        %mul3A_381 = arith.muli %convert_element_type3A_377, %mul3A_380 : vector<16xi32>
        %add3A_382 = arith.addi %mul3A_381, %convert_element_type3A_378 : vector<16xi32>
        %add3A_383 = arith.addi %mul3A_61, %add3A_382 : vector<16xi32>
        tpu.vector_store_idx %arg6[%add3A_383], %broadcast_in_dim3A_37 masked %and3A_376 {add = true} : memref<6144xf32, #tpu.memory_space<vmem>>[vector<16xi32>], vector<16xf32>, vector<16xi1>
        %slice3A_384 = vector.extract_strided_slice %get3A_89 {offsets = [10], sizes = [1], strides = [1]} : vector<16xf32> to vector<1xf32>
        %squeeze3A_385 = vector.extract %slice3A_384[0] : f32 from vector<1xf32>
        %sub3A_386 = vector.broadcast %squeeze3A_385 : f32 to vector<16xf32>
        %sub3A_387 = arith.subf %sub3A_386, %get3A_53 : vector<16xf32>
        %add3A_388 = arith.constant 3.000000e+00 : f32
        %add3A_389 = vector.broadcast %add3A_388 : f32 to vector<16xf32>
        %add3A_390 = arith.addf %sub3A_387, %add3A_389 : vector<16xf32>
        %slice3A_391 = vector.extract_strided_slice %get3A_91 {offsets = [10], sizes = [1], strides = [1]} : vector<16xf32> to vector<1xf32>
        %squeeze3A_392 = vector.extract %slice3A_391[0] : f32 from vector<1xf32>
        %sub3A_393 = vector.broadcast %squeeze3A_392 : f32 to vector<16xf32>
        %sub3A_394 = arith.subf %sub3A_393, %get3A_56 : vector<16xf32>
        %add3A_395 = arith.constant 3.000000e+00 : f32
        %add3A_396 = vector.broadcast %add3A_395 : f32 to vector<16xf32>
        %add3A_397 = arith.addf %sub3A_394, %add3A_396 : vector<16xf32>
        %min3A_398 = arith.minimumf %add3A_390, %add3A_397 : vector<16xf32>
        %ge3A_399 = arith.constant 0.000000e+00 : f32
        %ge3A_400 = vector.broadcast %ge3A_399 : f32 to vector<16xf32>
        %ge3A_401 = arith.cmpf oge, %min3A_398, %ge3A_400 : vector<16xf32>
        %max3A_402 = arith.maximumf %add3A_390, %add3A_397 : vector<16xf32>
        %lt3A_403 = arith.constant 6.000000e+00 : f32
        %lt3A_404 = vector.broadcast %lt3A_403 : f32 to vector<16xf32>
        %lt3A_405 = arith.cmpf olt, %max3A_402, %lt3A_404 : vector<16xf32>
        %and3A_406 = arith.andi %ge3A_401, %lt3A_405 : vector<16xi1>
        %convert_element_type3A_407 = arith.fptosi %add3A_390 : vector<16xf32> to vector<16xi32>
        %convert_element_type3A_408 = arith.fptosi %add3A_397 : vector<16xf32> to vector<16xi32>
        %mul3A_409 = arith.constant 6 : i32
        %mul3A_410 = vector.broadcast %mul3A_409 : i32 to vector<16xi32>
        %mul3A_411 = arith.muli %convert_element_type3A_407, %mul3A_410 : vector<16xi32>
        %add3A_412 = arith.addi %mul3A_411, %convert_element_type3A_408 : vector<16xi32>
        %add3A_413 = arith.addi %mul3A_61, %add3A_412 : vector<16xi32>
        tpu.vector_store_idx %arg6[%add3A_413], %broadcast_in_dim3A_37 masked %and3A_406 {add = true} : memref<6144xf32, #tpu.memory_space<vmem>>[vector<16xi32>], vector<16xf32>, vector<16xi1>
        %slice3A_414 = vector.extract_strided_slice %get3A_89 {offsets = [11], sizes = [1], strides = [1]} : vector<16xf32> to vector<1xf32>
        %squeeze3A_415 = vector.extract %slice3A_414[0] : f32 from vector<1xf32>
        %sub3A_416 = vector.broadcast %squeeze3A_415 : f32 to vector<16xf32>
        %sub3A_417 = arith.subf %sub3A_416, %get3A_53 : vector<16xf32>
        %add3A_418 = arith.constant 3.000000e+00 : f32
        %add3A_419 = vector.broadcast %add3A_418 : f32 to vector<16xf32>
        %add3A_420 = arith.addf %sub3A_417, %add3A_419 : vector<16xf32>
        %slice3A_421 = vector.extract_strided_slice %get3A_91 {offsets = [11], sizes = [1], strides = [1]} : vector<16xf32> to vector<1xf32>
        %squeeze3A_422 = vector.extract %slice3A_421[0] : f32 from vector<1xf32>
        %sub3A_423 = vector.broadcast %squeeze3A_422 : f32 to vector<16xf32>
        %sub3A_424 = arith.subf %sub3A_423, %get3A_56 : vector<16xf32>
        %add3A_425 = arith.constant 3.000000e+00 : f32
        %add3A_426 = vector.broadcast %add3A_425 : f32 to vector<16xf32>
        %add3A_427 = arith.addf %sub3A_424, %add3A_426 : vector<16xf32>
        %min3A_428 = arith.minimumf %add3A_420, %add3A_427 : vector<16xf32>
        %ge3A_429 = arith.constant 0.000000e+00 : f32
        %ge3A_430 = vector.broadcast %ge3A_429 : f32 to vector<16xf32>
        %ge3A_431 = arith.cmpf oge, %min3A_428, %ge3A_430 : vector<16xf32>
        %max3A_432 = arith.maximumf %add3A_420, %add3A_427 : vector<16xf32>
        %lt3A_433 = arith.constant 6.000000e+00 : f32
        %lt3A_434 = vector.broadcast %lt3A_433 : f32 to vector<16xf32>
        %lt3A_435 = arith.cmpf olt, %max3A_432, %lt3A_434 : vector<16xf32>
        %and3A_436 = arith.andi %ge3A_431, %lt3A_435 : vector<16xi1>
        %convert_element_type3A_437 = arith.fptosi %add3A_420 : vector<16xf32> to vector<16xi32>
        %convert_element_type3A_438 = arith.fptosi %add3A_427 : vector<16xf32> to vector<16xi32>
        %mul3A_439 = arith.constant 6 : i32
        %mul3A_440 = vector.broadcast %mul3A_439 : i32 to vector<16xi32>
        %mul3A_441 = arith.muli %convert_element_type3A_437, %mul3A_440 : vector<16xi32>
        %add3A_442 = arith.addi %mul3A_441, %convert_element_type3A_438 : vector<16xi32>
        %add3A_443 = arith.addi %mul3A_61, %add3A_442 : vector<16xi32>
        tpu.vector_store_idx %arg6[%add3A_443], %broadcast_in_dim3A_37 masked %and3A_436 {add = true} : memref<6144xf32, #tpu.memory_space<vmem>>[vector<16xi32>], vector<16xf32>, vector<16xi1>
        %slice3A_444 = vector.extract_strided_slice %get3A_89 {offsets = [12], sizes = [1], strides = [1]} : vector<16xf32> to vector<1xf32>
        %squeeze3A_445 = vector.extract %slice3A_444[0] : f32 from vector<1xf32>
        %sub3A_446 = vector.broadcast %squeeze3A_445 : f32 to vector<16xf32>
        %sub3A_447 = arith.subf %sub3A_446, %get3A_53 : vector<16xf32>
        %add3A_448 = arith.constant 3.000000e+00 : f32
        %add3A_449 = vector.broadcast %add3A_448 : f32 to vector<16xf32>
        %add3A_450 = arith.addf %sub3A_447, %add3A_449 : vector<16xf32>
        %slice3A_451 = vector.extract_strided_slice %get3A_91 {offsets = [12], sizes = [1], strides = [1]} : vector<16xf32> to vector<1xf32>
        %squeeze3A_452 = vector.extract %slice3A_451[0] : f32 from vector<1xf32>
        %sub3A_453 = vector.broadcast %squeeze3A_452 : f32 to vector<16xf32>
        %sub3A_454 = arith.subf %sub3A_453, %get3A_56 : vector<16xf32>
        %add3A_455 = arith.constant 3.000000e+00 : f32
        %add3A_456 = vector.broadcast %add3A_455 : f32 to vector<16xf32>
        %add3A_457 = arith.addf %sub3A_454, %add3A_456 : vector<16xf32>
        %min3A_458 = arith.minimumf %add3A_450, %add3A_457 : vector<16xf32>
        %ge3A_459 = arith.constant 0.000000e+00 : f32
        %ge3A_460 = vector.broadcast %ge3A_459 : f32 to vector<16xf32>
        %ge3A_461 = arith.cmpf oge, %min3A_458, %ge3A_460 : vector<16xf32>
        %max3A_462 = arith.maximumf %add3A_450, %add3A_457 : vector<16xf32>
        %lt3A_463 = arith.constant 6.000000e+00 : f32
        %lt3A_464 = vector.broadcast %lt3A_463 : f32 to vector<16xf32>
        %lt3A_465 = arith.cmpf olt, %max3A_462, %lt3A_464 : vector<16xf32>
        %and3A_466 = arith.andi %ge3A_461, %lt3A_465 : vector<16xi1>
        %convert_element_type3A_467 = arith.fptosi %add3A_450 : vector<16xf32> to vector<16xi32>
        %convert_element_type3A_468 = arith.fptosi %add3A_457 : vector<16xf32> to vector<16xi32>
        %mul3A_469 = arith.constant 6 : i32
        %mul3A_470 = vector.broadcast %mul3A_469 : i32 to vector<16xi32>
        %mul3A_471 = arith.muli %convert_element_type3A_467, %mul3A_470 : vector<16xi32>
        %add3A_472 = arith.addi %mul3A_471, %convert_element_type3A_468 : vector<16xi32>
        %add3A_473 = arith.addi %mul3A_61, %add3A_472 : vector<16xi32>
        tpu.vector_store_idx %arg6[%add3A_473], %broadcast_in_dim3A_37 masked %and3A_466 {add = true} : memref<6144xf32, #tpu.memory_space<vmem>>[vector<16xi32>], vector<16xf32>, vector<16xi1>
        %slice3A_474 = vector.extract_strided_slice %get3A_89 {offsets = [13], sizes = [1], strides = [1]} : vector<16xf32> to vector<1xf32>
        %squeeze3A_475 = vector.extract %slice3A_474[0] : f32 from vector<1xf32>
        %sub3A_476 = vector.broadcast %squeeze3A_475 : f32 to vector<16xf32>
        %sub3A_477 = arith.subf %sub3A_476, %get3A_53 : vector<16xf32>
        %add3A_478 = arith.constant 3.000000e+00 : f32
        %add3A_479 = vector.broadcast %add3A_478 : f32 to vector<16xf32>
        %add3A_480 = arith.addf %sub3A_477, %add3A_479 : vector<16xf32>
        %slice3A_481 = vector.extract_strided_slice %get3A_91 {offsets = [13], sizes = [1], strides = [1]} : vector<16xf32> to vector<1xf32>
        %squeeze3A_482 = vector.extract %slice3A_481[0] : f32 from vector<1xf32>
        %sub3A_483 = vector.broadcast %squeeze3A_482 : f32 to vector<16xf32>
        %sub3A_484 = arith.subf %sub3A_483, %get3A_56 : vector<16xf32>
        %add3A_485 = arith.constant 3.000000e+00 : f32
        %add3A_486 = vector.broadcast %add3A_485 : f32 to vector<16xf32>
        %add3A_487 = arith.addf %sub3A_484, %add3A_486 : vector<16xf32>
        %min3A_488 = arith.minimumf %add3A_480, %add3A_487 : vector<16xf32>
        %ge3A_489 = arith.constant 0.000000e+00 : f32
        %ge3A_490 = vector.broadcast %ge3A_489 : f32 to vector<16xf32>
        %ge3A_491 = arith.cmpf oge, %min3A_488, %ge3A_490 : vector<16xf32>
        %max3A_492 = arith.maximumf %add3A_480, %add3A_487 : vector<16xf32>
        %lt3A_493 = arith.constant 6.000000e+00 : f32
        %lt3A_494 = vector.broadcast %lt3A_493 : f32 to vector<16xf32>
        %lt3A_495 = arith.cmpf olt, %max3A_492, %lt3A_494 : vector<16xf32>
        %and3A_496 = arith.andi %ge3A_491, %lt3A_495 : vector<16xi1>
        %convert_element_type3A_497 = arith.fptosi %add3A_480 : vector<16xf32> to vector<16xi32>
        %convert_element_type3A_498 = arith.fptosi %add3A_487 : vector<16xf32> to vector<16xi32>
        %mul3A_499 = arith.constant 6 : i32
        %mul3A_500 = vector.broadcast %mul3A_499 : i32 to vector<16xi32>
        %mul3A_501 = arith.muli %convert_element_type3A_497, %mul3A_500 : vector<16xi32>
        %add3A_502 = arith.addi %mul3A_501, %convert_element_type3A_498 : vector<16xi32>
        %add3A_503 = arith.addi %mul3A_61, %add3A_502 : vector<16xi32>
        tpu.vector_store_idx %arg6[%add3A_503], %broadcast_in_dim3A_37 masked %and3A_496 {add = true} : memref<6144xf32, #tpu.memory_space<vmem>>[vector<16xi32>], vector<16xf32>, vector<16xi1>
        %slice3A_504 = vector.extract_strided_slice %get3A_89 {offsets = [14], sizes = [1], strides = [1]} : vector<16xf32> to vector<1xf32>
        %squeeze3A_505 = vector.extract %slice3A_504[0] : f32 from vector<1xf32>
        %sub3A_506 = vector.broadcast %squeeze3A_505 : f32 to vector<16xf32>
        %sub3A_507 = arith.subf %sub3A_506, %get3A_53 : vector<16xf32>
        %add3A_508 = arith.constant 3.000000e+00 : f32
        %add3A_509 = vector.broadcast %add3A_508 : f32 to vector<16xf32>
        %add3A_510 = arith.addf %sub3A_507, %add3A_509 : vector<16xf32>
        %slice3A_511 = vector.extract_strided_slice %get3A_91 {offsets = [14], sizes = [1], strides = [1]} : vector<16xf32> to vector<1xf32>
        %squeeze3A_512 = vector.extract %slice3A_511[0] : f32 from vector<1xf32>
        %sub3A_513 = vector.broadcast %squeeze3A_512 : f32 to vector<16xf32>
        %sub3A_514 = arith.subf %sub3A_513, %get3A_56 : vector<16xf32>
        %add3A_515 = arith.constant 3.000000e+00 : f32
        %add3A_516 = vector.broadcast %add3A_515 : f32 to vector<16xf32>
        %add3A_517 = arith.addf %sub3A_514, %add3A_516 : vector<16xf32>
        %min3A_518 = arith.minimumf %add3A_510, %add3A_517 : vector<16xf32>
        %ge3A_519 = arith.constant 0.000000e+00 : f32
        %ge3A_520 = vector.broadcast %ge3A_519 : f32 to vector<16xf32>
        %ge3A_521 = arith.cmpf oge, %min3A_518, %ge3A_520 : vector<16xf32>
        %max3A_522 = arith.maximumf %add3A_510, %add3A_517 : vector<16xf32>
        %lt3A_523 = arith.constant 6.000000e+00 : f32
        %lt3A_524 = vector.broadcast %lt3A_523 : f32 to vector<16xf32>
        %lt3A_525 = arith.cmpf olt, %max3A_522, %lt3A_524 : vector<16xf32>
        %and3A_526 = arith.andi %ge3A_521, %lt3A_525 : vector<16xi1>
        %convert_element_type3A_527 = arith.fptosi %add3A_510 : vector<16xf32> to vector<16xi32>
        %convert_element_type3A_528 = arith.fptosi %add3A_517 : vector<16xf32> to vector<16xi32>
        %mul3A_529 = arith.constant 6 : i32
        %mul3A_530 = vector.broadcast %mul3A_529 : i32 to vector<16xi32>
        %mul3A_531 = arith.muli %convert_element_type3A_527, %mul3A_530 : vector<16xi32>
        %add3A_532 = arith.addi %mul3A_531, %convert_element_type3A_528 : vector<16xi32>
        %add3A_533 = arith.addi %mul3A_61, %add3A_532 : vector<16xi32>
        tpu.vector_store_idx %arg6[%add3A_533], %broadcast_in_dim3A_37 masked %and3A_526 {add = true} : memref<6144xf32, #tpu.memory_space<vmem>>[vector<16xi32>], vector<16xf32>, vector<16xi1>
        %slice3A_534 = vector.extract_strided_slice %get3A_89 {offsets = [15], sizes = [1], strides = [1]} : vector<16xf32> to vector<1xf32>
        %squeeze3A_535 = vector.extract %slice3A_534[0] : f32 from vector<1xf32>
        %sub3A_536 = vector.broadcast %squeeze3A_535 : f32 to vector<16xf32>
        %sub3A_537 = arith.subf %sub3A_536, %get3A_53 : vector<16xf32>
        %add3A_538 = arith.constant 3.000000e+00 : f32
        %add3A_539 = vector.broadcast %add3A_538 : f32 to vector<16xf32>
        %add3A_540 = arith.addf %sub3A_537, %add3A_539 : vector<16xf32>
        %slice3A_541 = vector.extract_strided_slice %get3A_91 {offsets = [15], sizes = [1], strides = [1]} : vector<16xf32> to vector<1xf32>
        %squeeze3A_542 = vector.extract %slice3A_541[0] : f32 from vector<1xf32>
        %sub3A_543 = vector.broadcast %squeeze3A_542 : f32 to vector<16xf32>
        %sub3A_544 = arith.subf %sub3A_543, %get3A_56 : vector<16xf32>
        %add3A_545 = arith.constant 3.000000e+00 : f32
        %add3A_546 = vector.broadcast %add3A_545 : f32 to vector<16xf32>
        %add3A_547 = arith.addf %sub3A_544, %add3A_546 : vector<16xf32>
        %min3A_548 = arith.minimumf %add3A_540, %add3A_547 : vector<16xf32>
        %ge3A_549 = arith.constant 0.000000e+00 : f32
        %ge3A_550 = vector.broadcast %ge3A_549 : f32 to vector<16xf32>
        %ge3A_551 = arith.cmpf oge, %min3A_548, %ge3A_550 : vector<16xf32>
        %max3A_552 = arith.maximumf %add3A_540, %add3A_547 : vector<16xf32>
        %lt3A_553 = arith.constant 6.000000e+00 : f32
        %lt3A_554 = vector.broadcast %lt3A_553 : f32 to vector<16xf32>
        %lt3A_555 = arith.cmpf olt, %max3A_552, %lt3A_554 : vector<16xf32>
        %and3A_556 = arith.andi %ge3A_551, %lt3A_555 : vector<16xi1>
        %convert_element_type3A_557 = arith.fptosi %add3A_540 : vector<16xf32> to vector<16xi32>
        %convert_element_type3A_558 = arith.fptosi %add3A_547 : vector<16xf32> to vector<16xi32>
        %mul3A_559 = arith.constant 6 : i32
        %mul3A_560 = vector.broadcast %mul3A_559 : i32 to vector<16xi32>
        %mul3A_561 = arith.muli %convert_element_type3A_557, %mul3A_560 : vector<16xi32>
        %add3A_562 = arith.addi %mul3A_561, %convert_element_type3A_558 : vector<16xi32>
        %add3A_563 = arith.addi %mul3A_61, %add3A_562 : vector<16xi32>
        tpu.vector_store_idx %arg6[%add3A_563], %broadcast_in_dim3A_37 masked %and3A_556 {add = true} : memref<6144xf32, #tpu.memory_space<vmem>>[vector<16xi32>], vector<16xf32>, vector<16xi1>
      }
      %scan3A_66 = arith.constant 256 : i32
      %mul3A_67 = arith.constant 0.000000e+00 : f32
      %mul3A_68 = vector.broadcast %mul3A_67 : f32 to vector<16xf32>
      %mul3A_69 = arith.mulf %get3A_53, %mul3A_68 : vector<16xf32>
      %eq3A = arith.constant 0.000000e+00 : f32
      %eq3A_70 = vector.broadcast %eq3A : f32 to vector<16xf32>
      %eq3A_71 = arith.cmpf oeq, %mul3A_69, %eq3A_70 : vector<16xf32>
      %mul3A_72 = arith.constant 0.000000e+00 : f32
      %mul3A_73 = vector.broadcast %mul3A_72 : f32 to vector<16xf32>
      %mul3A_74 = arith.mulf %get3A_56, %mul3A_73 : vector<16xf32>
      %eq3A_75 = arith.constant 0.000000e+00 : f32
      %eq3A_76 = vector.broadcast %eq3A_75 : f32 to vector<16xf32>
      %eq3A_77 = arith.cmpf oeq, %mul3A_74, %eq3A_76 : vector<16xf32>
      %and3A = arith.andi %eq3A_71, %eq3A_77 : vector<16xi1>
      %add3A_78 = arith.constant 21 : i32
      %add3A_79 = vector.broadcast %add3A_78 : i32 to vector<16xi32>
      %add3A_80 = arith.addi %mul3A_61, %add3A_79 : vector<16xi32>
      %neg3A = arith.constant 0.000000e+00 : f32
      %neg3A_81 = vector.broadcast %neg3A : f32 to vector<16xf32>
      %neg3A_82 = arith.subf %neg3A_81, %broadcast_in_dim3A_37 : vector<16xf32>
      tpu.vector_store_idx %arg6[%add3A_80], %neg3A_82 masked %and3A {add = true} : memref<6144xf32, #tpu.memory_space<vmem>>[vector<16xi32>], vector<16xf32>, vector<16xi1>
    }
    %scan3A_42 = arith.constant 3 : i32
    %mul3A_43 = arith.constant 48 : i32
    %mul3A_44 = arith.muli %add3A, %mul3A_43 : i32
    %mul3A_45 = arith.constant 128 : i32
    %mul3A_46 = arith.muli %mul3A_44, %mul3A_45 : i32
    "tpu.region"() ({
      %run_scoped3A = tpu.sem_alloc : memref<!tpu.dma_semaphore, #tpu.memory_space<semaphore_mem>>
      %dma_start3A_47 = tpu.memref_slice %arg3[%mul3A_46] : memref<196608xf32, #tpu.memory_space<hbm>> -> memref<6144xf32, #tpu.memory_space<hbm>>
      %dma_start3A_48 = tpu.memref_slice %arg3[%mul3A_46] : memref<196608xf32, #tpu.memory_space<hbm>> -> memref<6144xf32, #tpu.memory_space<hbm>>
      tpu.enqueue_dma source(%arg6 : memref<6144xf32, #tpu.memory_space<vmem>>) target(%dma_start3A_48 : memref<6144xf32, #tpu.memory_space<hbm>>) target_semaphore(%run_scoped3A : memref<!tpu.dma_semaphore, #tpu.memory_space<semaphore_mem>>)
      %dma_wait3A_49 = tpu.memref_slice %arg3[%mul3A_46] : memref<196608xf32, #tpu.memory_space<hbm>> -> memref<6144xf32, #tpu.memory_space<hbm>>
      %dma_wait3A_50 = tpu.memref_slice %arg3[%mul3A_46] : memref<196608xf32, #tpu.memory_space<hbm>> -> memref<6144xf32, #tpu.memory_space<hbm>>
      tpu.wait_dma2 semaphore(%run_scoped3A : memref<!tpu.dma_semaphore, #tpu.memory_space<semaphore_mem>>) src(%arg6 : memref<6144xf32, #tpu.memory_space<vmem>>) dst(%dma_wait3A_50 : memref<6144xf32, #tpu.memory_space<hbm>>)
      tpu.yield
    }) : () -> ()
    return
  }
}

module attributes {stable_mosaic.version = 14 : i64} {
  func.func @_embed_kernel(%arg0: i32, %arg1: memref<512x128xf32, #tpu.memory_space<vmem>>, %arg2: memref<512x128xf32, #tpu.memory_space<vmem>>, %arg3: memref<128x128xf32, #tpu.memory_space<vmem>>, %arg4: memref<1x128xf32, #tpu.memory_space<vmem>>, %arg5: memref<512x128xf32, #tpu.memory_space<vmem>>) attributes {dimension_semantics = [#tpu.dimension_semantics<arbitrary>], iteration_bounds = array<i64: 3>, scalar_prefetch = 0 : i64, scratch_operands = 0 : i64, tpu.core_type = #tpu.core_type<tc>, window_params = [{transform_indices = @transform_0, window_bounds = array<i64: 512, 128>}, {transform_indices = @transform_1, window_bounds = array<i64: 512, 128>}, {pipeline_mode = #tpu.pipeline_mode<synchronous>, transform_indices = @transform_2, window_bounds = array<i64: 128, 128>}, {pipeline_mode = #tpu.pipeline_mode<synchronous>, transform_indices = @transform_3, window_bounds = array<i64: 1, 128>}, {transform_indices = @transform_4, window_bounds = array<i64: 512, 128>}]} {
    %get3A = arith.constant 0 : index
    %get3A_0 = arith.constant 0 : index
    %get3A_1 = vector.load %arg2[%get3A, %get3A_0] : memref<512x128xf32, #tpu.memory_space<vmem>>, vector<512x128xf32>
    %get3A_2 = arith.constant 0 : index
    %get3A_3 = arith.constant 0 : index
    %get3A_4 = vector.load %arg3[%get3A_2, %get3A_3] : memref<128x128xf32, #tpu.memory_space<vmem>>, vector<128x128xf32>
    %dot_general3A = arith.constant dense<0.000000e+00> : vector<512x128xf32>
    %dot_general3A_5 = tpu.matmul %get3A_1, %get3A_4, %dot_general3A {dimension_numbers = #tpu.dot_dimension_numbers<[1], [0], [0], [1], [0, 0, 1, 1], [], []>, transpose_lhs_hint = false} : vector<512x128xf32>, vector<128x128xf32>, vector<512x128xf32> -> vector<512x128xf32>
    %get3A_6 = arith.constant 0 : index
    %get3A_7 = arith.constant 0 : index
    %get3A_8 = vector.load %arg4[%get3A_6, %get3A_7] : memref<1x128xf32, #tpu.memory_space<vmem>>, vector<1x128xf32>
    %add3A = vector.broadcast %get3A_8 : vector<1x128xf32> to vector<512x128xf32>
    %add3A_9 = arith.addf %dot_general3A_5, %add3A : vector<512x128xf32>
    %swap3A = arith.constant 0 : index
    %swap3A_10 = arith.constant 0 : index
    %swap3A_11 = vector.load %arg5[%swap3A, %swap3A_10] : memref<512x128xf32, #tpu.memory_space<vmem>>, vector<512x128xf32>
    tpu.vector_store %arg5[%swap3A, %swap3A_10], %add3A_9 {strides = array<i32>} : memref<512x128xf32, #tpu.memory_space<vmem>>, vector<512x128xf32>,
    return
  }
  func.func @transform_0(%arg0: i32) -> (i32, i32) {
    %add3A = arith.constant 5 : i32
    %add3A_0 = arith.addi %arg0, %add3A : i32
    %c0_i32 = arith.constant 0 : i32
    %c0_i32_1 = arith.constant 0 : i32
    return %add3A_0, %c0_i32 : i32, i32
  }
  func.func @transform_1(%arg0: i32) -> (i32, i32) {
    %c0_i32 = arith.constant 0 : i32
    %c0_i32_0 = arith.constant 0 : i32
    return %arg0, %c0_i32 : i32, i32
  }
  func.func @transform_2(%arg0: i32) -> (i32, i32) {
    %c0_i32 = arith.constant 0 : i32
    %c0_i32_0 = arith.constant 0 : i32
    %c0_i32_1 = arith.constant 0 : i32
    return %c0_i32, %c0_i32_0 : i32, i32
  }
  func.func @transform_3(%arg0: i32) -> (i32, i32) {
    %c0_i32 = arith.constant 0 : i32
    %c0_i32_0 = arith.constant 0 : i32
    %c0_i32_1 = arith.constant 0 : i32
    return %c0_i32, %c0_i32_0 : i32, i32
  }
  func.func @transform_4(%arg0: i32) -> (i32, i32) {
    %add3A = arith.constant 5 : i32
    %add3A_0 = arith.addi %arg0, %add3A : i32
    %c0_i32 = arith.constant 0 : i32
    %c0_i32_1 = arith.constant 0 : i32
    return %add3A_0, %c0_i32 : i32, i32
  }
}

module attributes {stable_mosaic.version = 14 : i64} {
  func.func @_pool_kernel(%arg0: i32, %arg1: memref<128x2xf32, #tpu.memory_space<vmem>>, %arg2: memref<2x4096xf32, #tpu.memory_space<vmem>>, %arg3: memref<40x128xf32, #tpu.memory_space<vmem>>, %arg4: memref<1x128xf32, #tpu.memory_space<vmem>>, %arg5: memref<128x128xf32, #tpu.memory_space<vmem>>) attributes {dimension_semantics = [#tpu.dimension_semantics<arbitrary>], iteration_bounds = array<i64: 20>, scalar_prefetch = 0 : i64, scratch_operands = 0 : i64, tpu.core_type = #tpu.core_type<tc>, window_params = [{transform_indices = @transform_0, window_bounds = array<i64: 128, 2>}, {pipeline_mode = #tpu.pipeline_mode<synchronous>, transform_indices = @transform_1, window_bounds = array<i64: 2, 4096>}, {transform_indices = @transform_2, window_bounds = array<i64: 40, 128>}, {pipeline_mode = #tpu.pipeline_mode<synchronous>, transform_indices = @transform_3, window_bounds = array<i64: 1, 128>}, {transform_indices = @transform_4, window_bounds = array<i64: 128, 128>}]} {
    %get3A = arith.constant 0 : index
    %get3A_0 = arith.constant 0 : index
    %get3A_1 = vector.load %arg1[%get3A, %get3A_0] : memref<128x2xf32, #tpu.memory_space<vmem>>, vector<128x1xf32>
    %get3A_2 = arith.constant 0 : index
    %get3A_3 = arith.constant 1 : index
    %get3A_4 = vector.load %arg1[%get3A_2, %get3A_3] : memref<128x2xf32, #tpu.memory_space<vmem>>, vector<128x1xf32>
    %broadcast_in_dim3A = arith.constant 0 : i32
    %broadcast_in_dim3A_5 = vector.broadcast %broadcast_in_dim3A : i32 to vector<128x512xi32>
    %broadcast_in_dim3A_6 = arith.constant 0 : i32
    %broadcast_in_dim3A_7 = vector.broadcast %broadcast_in_dim3A_6 : i32 to vector<128x512xi32>
    %broadcast_in_dim3A_8 = arith.constant 0 : i32
    %broadcast_in_dim3A_9 = vector.broadcast %broadcast_in_dim3A_8 : i32 to vector<128x512xi32>
    %broadcast_in_dim3A_10 = arith.constant 0 : i32
    %broadcast_in_dim3A_11 = vector.broadcast %broadcast_in_dim3A_10 : i32 to vector<128x512xi32>
    %broadcast_in_dim3A_12 = arith.constant 0 : i32
    %broadcast_in_dim3A_13 = vector.broadcast %broadcast_in_dim3A_12 : i32 to vector<128x512xi32>
    %get3A_14 = arith.constant 0 : index
    %get3A_15 = arith.constant 0 : index
    %get3A_16 = vector.load %arg2[%get3A_14, %get3A_15] : memref<2x4096xf32, #tpu.memory_space<vmem>>, vector<1x512xf32>
    %get3A_17 = arith.constant 1 : index
    %get3A_18 = arith.constant 0 : index
    %get3A_19 = vector.load %arg2[%get3A_17, %get3A_18] : memref<2x4096xf32, #tpu.memory_space<vmem>>, vector<1x512xf32>
    %sub3A = vector.broadcast %get3A_16 : vector<1x512xf32> to vector<128x512xf32>
    %sub3A_20 = vector.broadcast %get3A_1 : vector<128x1xf32> to vector<128x512xf32>
    %sub3A_21 = arith.subf %sub3A, %sub3A_20 : vector<128x512xf32>
    %add3A = arith.constant 3.000000e+00 : f32
    %add3A_22 = vector.broadcast %add3A : f32 to vector<128x512xf32>
    %add3A_23 = arith.addf %sub3A_21, %add3A_22 : vector<128x512xf32>
    %sub3A_24 = vector.broadcast %get3A_19 : vector<1x512xf32> to vector<128x512xf32>
    %sub3A_25 = vector.broadcast %get3A_4 : vector<128x1xf32> to vector<128x512xf32>
    %sub3A_26 = arith.subf %sub3A_24, %sub3A_25 : vector<128x512xf32>
    %add3A_27 = arith.constant 3.000000e+00 : f32
    %add3A_28 = vector.broadcast %add3A_27 : f32 to vector<128x512xf32>
    %add3A_29 = arith.addf %sub3A_26, %add3A_28 : vector<128x512xf32>
    %min3A = arith.minimumf %add3A_23, %add3A_29 : vector<128x512xf32>
    %ge3A = arith.constant 0.000000e+00 : f32
    %ge3A_30 = vector.broadcast %ge3A : f32 to vector<128x512xf32>
    %ge3A_31 = arith.cmpf oge, %min3A, %ge3A_30 : vector<128x512xf32>
    %max3A = arith.maximumf %add3A_23, %add3A_29 : vector<128x512xf32>
    %lt3A = arith.constant 6.000000e+00 : f32
    %lt3A_32 = vector.broadcast %lt3A : f32 to vector<128x512xf32>
    %lt3A_33 = arith.cmpf olt, %max3A, %lt3A_32 : vector<128x512xf32>
    %and3A = arith.andi %ge3A_31, %lt3A_33 : vector<128x512xi1>
    %convert_element_type3A = arith.fptosi %add3A_23 : vector<128x512xf32> to vector<128x512xi32>
    %convert_element_type3A_34 = arith.fptosi %add3A_29 : vector<128x512xf32> to vector<128x512xi32>
    %mul3A = arith.constant 6 : i32
    %mul3A_35 = vector.broadcast %mul3A : i32 to vector<128x512xi32>
    %mul3A_36 = arith.muli %convert_element_type3A, %mul3A_35 : vector<128x512xi32>
    %add3A_37 = arith.addi %mul3A_36, %convert_element_type3A_34 : vector<128x512xi32>
    %jit3A = arith.constant -1 : i32
    %broadcast_in_dim3A_38 = vector.broadcast %jit3A : i32 to vector<128x512xi32>
    %select_n3A = arith.select %and3A, %add3A_37, %broadcast_in_dim3A_38 : vector<128x512xi1>, vector<128x512xi32>
    %and3A_39 = arith.constant 7 : i32
    %and3A_40 = vector.broadcast %and3A_39 : i32 to vector<128x512xi32>
    %and3A_41 = arith.andi %select_n3A, %and3A_40 : vector<128x512xi32>
    %shift_left3A = arith.constant 2 : i32
    %shift_left3A_42 = vector.broadcast %shift_left3A : i32 to vector<128x512xi32>
    %shift_left3A_43 = arith.shli %and3A_41, %shift_left3A_42 : vector<128x512xi32>
    %shift_left3A_44 = arith.constant 1 : i32
    %shift_left3A_45 = vector.broadcast %shift_left3A_44 : i32 to vector<128x512xi32>
    %shift_left3A_46 = arith.shli %shift_left3A_45, %shift_left3A_43 : vector<128x512xi32>
    %shift_right_arithmetic3A = arith.constant 3 : i32
    %shift_right_arithmetic3A_47 = vector.broadcast %shift_right_arithmetic3A : i32 to vector<128x512xi32>
    %shift_right_arithmetic3A_48 = arith.shrsi %select_n3A, %shift_right_arithmetic3A_47 : vector<128x512xi32>
    %eq3A = arith.constant 0 : i32
    %eq3A_49 = vector.broadcast %eq3A : i32 to vector<128x512xi32>
    %eq3A_50 = arith.cmpi eq, %shift_right_arithmetic3A_48, %eq3A_49 : vector<128x512xi32>
    %jit3A_51 = arith.constant 0 : i32
    %broadcast_in_dim3A_52 = vector.broadcast %jit3A_51 : i32 to vector<128x512xi32>
    %select_n3A_53 = arith.select %eq3A_50, %shift_left3A_46, %broadcast_in_dim3A_52 : vector<128x512xi1>, vector<128x512xi32>
    %add3A_54 = arith.addi %broadcast_in_dim3A_5, %select_n3A_53 : vector<128x512xi32>
    %eq3A_55 = arith.constant 1 : i32
    %eq3A_56 = vector.broadcast %eq3A_55 : i32 to vector<128x512xi32>
    %eq3A_57 = arith.cmpi eq, %shift_right_arithmetic3A_48, %eq3A_56 : vector<128x512xi32>
    %jit3A_58 = arith.constant 0 : i32
    %broadcast_in_dim3A_59 = vector.broadcast %jit3A_58 : i32 to vector<128x512xi32>
    %select_n3A_60 = arith.select %eq3A_57, %shift_left3A_46, %broadcast_in_dim3A_59 : vector<128x512xi1>, vector<128x512xi32>
    %add3A_61 = arith.addi %broadcast_in_dim3A_7, %select_n3A_60 : vector<128x512xi32>
    %eq3A_62 = arith.constant 2 : i32
    %eq3A_63 = vector.broadcast %eq3A_62 : i32 to vector<128x512xi32>
    %eq3A_64 = arith.cmpi eq, %shift_right_arithmetic3A_48, %eq3A_63 : vector<128x512xi32>
    %jit3A_65 = arith.constant 0 : i32
    %broadcast_in_dim3A_66 = vector.broadcast %jit3A_65 : i32 to vector<128x512xi32>
    %select_n3A_67 = arith.select %eq3A_64, %shift_left3A_46, %broadcast_in_dim3A_66 : vector<128x512xi1>, vector<128x512xi32>
    %add3A_68 = arith.addi %broadcast_in_dim3A_9, %select_n3A_67 : vector<128x512xi32>
    %eq3A_69 = arith.constant 3 : i32
    %eq3A_70 = vector.broadcast %eq3A_69 : i32 to vector<128x512xi32>
    %eq3A_71 = arith.cmpi eq, %shift_right_arithmetic3A_48, %eq3A_70 : vector<128x512xi32>
    %jit3A_72 = arith.constant 0 : i32
    %broadcast_in_dim3A_73 = vector.broadcast %jit3A_72 : i32 to vector<128x512xi32>
    %select_n3A_74 = arith.select %eq3A_71, %shift_left3A_46, %broadcast_in_dim3A_73 : vector<128x512xi1>, vector<128x512xi32>
    %add3A_75 = arith.addi %broadcast_in_dim3A_11, %select_n3A_74 : vector<128x512xi32>
    %eq3A_76 = arith.constant 4 : i32
    %eq3A_77 = vector.broadcast %eq3A_76 : i32 to vector<128x512xi32>
    %eq3A_78 = arith.cmpi eq, %shift_right_arithmetic3A_48, %eq3A_77 : vector<128x512xi32>
    %jit3A_79 = arith.constant 0 : i32
    %broadcast_in_dim3A_80 = vector.broadcast %jit3A_79 : i32 to vector<128x512xi32>
    %select_n3A_81 = arith.select %eq3A_78, %shift_left3A_46, %broadcast_in_dim3A_80 : vector<128x512xi1>, vector<128x512xi32>
    %add3A_82 = arith.addi %broadcast_in_dim3A_13, %select_n3A_81 : vector<128x512xi32>
    %get3A_83 = arith.constant 0 : index
    %get3A_84 = arith.constant 512 : index
    %get3A_85 = vector.load %arg2[%get3A_83, %get3A_84] : memref<2x4096xf32, #tpu.memory_space<vmem>>, vector<1x512xf32>
    %get3A_86 = arith.constant 1 : index
    %get3A_87 = arith.constant 512 : index
    %get3A_88 = vector.load %arg2[%get3A_86, %get3A_87] : memref<2x4096xf32, #tpu.memory_space<vmem>>, vector<1x512xf32>
    %sub3A_89 = vector.broadcast %get3A_85 : vector<1x512xf32> to vector<128x512xf32>
    %sub3A_90 = vector.broadcast %get3A_1 : vector<128x1xf32> to vector<128x512xf32>
    %sub3A_91 = arith.subf %sub3A_89, %sub3A_90 : vector<128x512xf32>
    %add3A_92 = arith.constant 3.000000e+00 : f32
    %add3A_93 = vector.broadcast %add3A_92 : f32 to vector<128x512xf32>
    %add3A_94 = arith.addf %sub3A_91, %add3A_93 : vector<128x512xf32>
    %sub3A_95 = vector.broadcast %get3A_88 : vector<1x512xf32> to vector<128x512xf32>
    %sub3A_96 = vector.broadcast %get3A_4 : vector<128x1xf32> to vector<128x512xf32>
    %sub3A_97 = arith.subf %sub3A_95, %sub3A_96 : vector<128x512xf32>
    %add3A_98 = arith.constant 3.000000e+00 : f32
    %add3A_99 = vector.broadcast %add3A_98 : f32 to vector<128x512xf32>
    %add3A_100 = arith.addf %sub3A_97, %add3A_99 : vector<128x512xf32>
    %min3A_101 = arith.minimumf %add3A_94, %add3A_100 : vector<128x512xf32>
    %ge3A_102 = arith.constant 0.000000e+00 : f32
    %ge3A_103 = vector.broadcast %ge3A_102 : f32 to vector<128x512xf32>
    %ge3A_104 = arith.cmpf oge, %min3A_101, %ge3A_103 : vector<128x512xf32>
    %max3A_105 = arith.maximumf %add3A_94, %add3A_100 : vector<128x512xf32>
    %lt3A_106 = arith.constant 6.000000e+00 : f32
    %lt3A_107 = vector.broadcast %lt3A_106 : f32 to vector<128x512xf32>
    %lt3A_108 = arith.cmpf olt, %max3A_105, %lt3A_107 : vector<128x512xf32>
    %and3A_109 = arith.andi %ge3A_104, %lt3A_108 : vector<128x512xi1>
    %convert_element_type3A_110 = arith.fptosi %add3A_94 : vector<128x512xf32> to vector<128x512xi32>
    %convert_element_type3A_111 = arith.fptosi %add3A_100 : vector<128x512xf32> to vector<128x512xi32>
    %mul3A_112 = arith.constant 6 : i32
    %mul3A_113 = vector.broadcast %mul3A_112 : i32 to vector<128x512xi32>
    %mul3A_114 = arith.muli %convert_element_type3A_110, %mul3A_113 : vector<128x512xi32>
    %add3A_115 = arith.addi %mul3A_114, %convert_element_type3A_111 : vector<128x512xi32>
    %jit3A_116 = arith.constant -1 : i32
    %broadcast_in_dim3A_117 = vector.broadcast %jit3A_116 : i32 to vector<128x512xi32>
    %select_n3A_118 = arith.select %and3A_109, %add3A_115, %broadcast_in_dim3A_117 : vector<128x512xi1>, vector<128x512xi32>
    %and3A_119 = arith.constant 7 : i32
    %and3A_120 = vector.broadcast %and3A_119 : i32 to vector<128x512xi32>
    %and3A_121 = arith.andi %select_n3A_118, %and3A_120 : vector<128x512xi32>
    %shift_left3A_122 = arith.constant 2 : i32
    %shift_left3A_123 = vector.broadcast %shift_left3A_122 : i32 to vector<128x512xi32>
    %shift_left3A_124 = arith.shli %and3A_121, %shift_left3A_123 : vector<128x512xi32>
    %shift_left3A_125 = arith.constant 1 : i32
    %shift_left3A_126 = vector.broadcast %shift_left3A_125 : i32 to vector<128x512xi32>
    %shift_left3A_127 = arith.shli %shift_left3A_126, %shift_left3A_124 : vector<128x512xi32>
    %shift_right_arithmetic3A_128 = arith.constant 3 : i32
    %shift_right_arithmetic3A_129 = vector.broadcast %shift_right_arithmetic3A_128 : i32 to vector<128x512xi32>
    %shift_right_arithmetic3A_130 = arith.shrsi %select_n3A_118, %shift_right_arithmetic3A_129 : vector<128x512xi32>
    %eq3A_131 = arith.constant 0 : i32
    %eq3A_132 = vector.broadcast %eq3A_131 : i32 to vector<128x512xi32>
    %eq3A_133 = arith.cmpi eq, %shift_right_arithmetic3A_130, %eq3A_132 : vector<128x512xi32>
    %jit3A_134 = arith.constant 0 : i32
    %broadcast_in_dim3A_135 = vector.broadcast %jit3A_134 : i32 to vector<128x512xi32>
    %select_n3A_136 = arith.select %eq3A_133, %shift_left3A_127, %broadcast_in_dim3A_135 : vector<128x512xi1>, vector<128x512xi32>
    %add3A_137 = arith.addi %add3A_54, %select_n3A_136 : vector<128x512xi32>
    %eq3A_138 = arith.constant 1 : i32
    %eq3A_139 = vector.broadcast %eq3A_138 : i32 to vector<128x512xi32>
    %eq3A_140 = arith.cmpi eq, %shift_right_arithmetic3A_130, %eq3A_139 : vector<128x512xi32>
    %jit3A_141 = arith.constant 0 : i32
    %broadcast_in_dim3A_142 = vector.broadcast %jit3A_141 : i32 to vector<128x512xi32>
    %select_n3A_143 = arith.select %eq3A_140, %shift_left3A_127, %broadcast_in_dim3A_142 : vector<128x512xi1>, vector<128x512xi32>
    %add3A_144 = arith.addi %add3A_61, %select_n3A_143 : vector<128x512xi32>
    %eq3A_145 = arith.constant 2 : i32
    %eq3A_146 = vector.broadcast %eq3A_145 : i32 to vector<128x512xi32>
    %eq3A_147 = arith.cmpi eq, %shift_right_arithmetic3A_130, %eq3A_146 : vector<128x512xi32>
    %jit3A_148 = arith.constant 0 : i32
    %broadcast_in_dim3A_149 = vector.broadcast %jit3A_148 : i32 to vector<128x512xi32>
    %select_n3A_150 = arith.select %eq3A_147, %shift_left3A_127, %broadcast_in_dim3A_149 : vector<128x512xi1>, vector<128x512xi32>
    %add3A_151 = arith.addi %add3A_68, %select_n3A_150 : vector<128x512xi32>
    %eq3A_152 = arith.constant 3 : i32
    %eq3A_153 = vector.broadcast %eq3A_152 : i32 to vector<128x512xi32>
    %eq3A_154 = arith.cmpi eq, %shift_right_arithmetic3A_130, %eq3A_153 : vector<128x512xi32>
    %jit3A_155 = arith.constant 0 : i32
    %broadcast_in_dim3A_156 = vector.broadcast %jit3A_155 : i32 to vector<128x512xi32>
    %select_n3A_157 = arith.select %eq3A_154, %shift_left3A_127, %broadcast_in_dim3A_156 : vector<128x512xi1>, vector<128x512xi32>
    %add3A_158 = arith.addi %add3A_75, %select_n3A_157 : vector<128x512xi32>
    %eq3A_159 = arith.constant 4 : i32
    %eq3A_160 = vector.broadcast %eq3A_159 : i32 to vector<128x512xi32>
    %eq3A_161 = arith.cmpi eq, %shift_right_arithmetic3A_130, %eq3A_160 : vector<128x512xi32>
    %jit3A_162 = arith.constant 0 : i32
    %broadcast_in_dim3A_163 = vector.broadcast %jit3A_162 : i32 to vector<128x512xi32>
    %select_n3A_164 = arith.select %eq3A_161, %shift_left3A_127, %broadcast_in_dim3A_163 : vector<128x512xi1>, vector<128x512xi32>
    %add3A_165 = arith.addi %add3A_82, %select_n3A_164 : vector<128x512xi32>
    %get3A_166 = arith.constant 0 : index
    %get3A_167 = arith.constant 1024 : index
    %get3A_168 = vector.load %arg2[%get3A_166, %get3A_167] : memref<2x4096xf32, #tpu.memory_space<vmem>>, vector<1x512xf32>
    %get3A_169 = arith.constant 1 : index
    %get3A_170 = arith.constant 1024 : index
    %get3A_171 = vector.load %arg2[%get3A_169, %get3A_170] : memref<2x4096xf32, #tpu.memory_space<vmem>>, vector<1x512xf32>
    %sub3A_172 = vector.broadcast %get3A_168 : vector<1x512xf32> to vector<128x512xf32>
    %sub3A_173 = vector.broadcast %get3A_1 : vector<128x1xf32> to vector<128x512xf32>
    %sub3A_174 = arith.subf %sub3A_172, %sub3A_173 : vector<128x512xf32>
    %add3A_175 = arith.constant 3.000000e+00 : f32
    %add3A_176 = vector.broadcast %add3A_175 : f32 to vector<128x512xf32>
    %add3A_177 = arith.addf %sub3A_174, %add3A_176 : vector<128x512xf32>
    %sub3A_178 = vector.broadcast %get3A_171 : vector<1x512xf32> to vector<128x512xf32>
    %sub3A_179 = vector.broadcast %get3A_4 : vector<128x1xf32> to vector<128x512xf32>
    %sub3A_180 = arith.subf %sub3A_178, %sub3A_179 : vector<128x512xf32>
    %add3A_181 = arith.constant 3.000000e+00 : f32
    %add3A_182 = vector.broadcast %add3A_181 : f32 to vector<128x512xf32>
    %add3A_183 = arith.addf %sub3A_180, %add3A_182 : vector<128x512xf32>
    %min3A_184 = arith.minimumf %add3A_177, %add3A_183 : vector<128x512xf32>
    %ge3A_185 = arith.constant 0.000000e+00 : f32
    %ge3A_186 = vector.broadcast %ge3A_185 : f32 to vector<128x512xf32>
    %ge3A_187 = arith.cmpf oge, %min3A_184, %ge3A_186 : vector<128x512xf32>
    %max3A_188 = arith.maximumf %add3A_177, %add3A_183 : vector<128x512xf32>
    %lt3A_189 = arith.constant 6.000000e+00 : f32
    %lt3A_190 = vector.broadcast %lt3A_189 : f32 to vector<128x512xf32>
    %lt3A_191 = arith.cmpf olt, %max3A_188, %lt3A_190 : vector<128x512xf32>
    %and3A_192 = arith.andi %ge3A_187, %lt3A_191 : vector<128x512xi1>
    %convert_element_type3A_193 = arith.fptosi %add3A_177 : vector<128x512xf32> to vector<128x512xi32>
    %convert_element_type3A_194 = arith.fptosi %add3A_183 : vector<128x512xf32> to vector<128x512xi32>
    %mul3A_195 = arith.constant 6 : i32
    %mul3A_196 = vector.broadcast %mul3A_195 : i32 to vector<128x512xi32>
    %mul3A_197 = arith.muli %convert_element_type3A_193, %mul3A_196 : vector<128x512xi32>
    %add3A_198 = arith.addi %mul3A_197, %convert_element_type3A_194 : vector<128x512xi32>
    %jit3A_199 = arith.constant -1 : i32
    %broadcast_in_dim3A_200 = vector.broadcast %jit3A_199 : i32 to vector<128x512xi32>
    %select_n3A_201 = arith.select %and3A_192, %add3A_198, %broadcast_in_dim3A_200 : vector<128x512xi1>, vector<128x512xi32>
    %and3A_202 = arith.constant 7 : i32
    %and3A_203 = vector.broadcast %and3A_202 : i32 to vector<128x512xi32>
    %and3A_204 = arith.andi %select_n3A_201, %and3A_203 : vector<128x512xi32>
    %shift_left3A_205 = arith.constant 2 : i32
    %shift_left3A_206 = vector.broadcast %shift_left3A_205 : i32 to vector<128x512xi32>
    %shift_left3A_207 = arith.shli %and3A_204, %shift_left3A_206 : vector<128x512xi32>
    %shift_left3A_208 = arith.constant 1 : i32
    %shift_left3A_209 = vector.broadcast %shift_left3A_208 : i32 to vector<128x512xi32>
    %shift_left3A_210 = arith.shli %shift_left3A_209, %shift_left3A_207 : vector<128x512xi32>
    %shift_right_arithmetic3A_211 = arith.constant 3 : i32
    %shift_right_arithmetic3A_212 = vector.broadcast %shift_right_arithmetic3A_211 : i32 to vector<128x512xi32>
    %shift_right_arithmetic3A_213 = arith.shrsi %select_n3A_201, %shift_right_arithmetic3A_212 : vector<128x512xi32>
    %eq3A_214 = arith.constant 0 : i32
    %eq3A_215 = vector.broadcast %eq3A_214 : i32 to vector<128x512xi32>
    %eq3A_216 = arith.cmpi eq, %shift_right_arithmetic3A_213, %eq3A_215 : vector<128x512xi32>
    %jit3A_217 = arith.constant 0 : i32
    %broadcast_in_dim3A_218 = vector.broadcast %jit3A_217 : i32 to vector<128x512xi32>
    %select_n3A_219 = arith.select %eq3A_216, %shift_left3A_210, %broadcast_in_dim3A_218 : vector<128x512xi1>, vector<128x512xi32>
    %add3A_220 = arith.addi %add3A_137, %select_n3A_219 : vector<128x512xi32>
    %eq3A_221 = arith.constant 1 : i32
    %eq3A_222 = vector.broadcast %eq3A_221 : i32 to vector<128x512xi32>
    %eq3A_223 = arith.cmpi eq, %shift_right_arithmetic3A_213, %eq3A_222 : vector<128x512xi32>
    %jit3A_224 = arith.constant 0 : i32
    %broadcast_in_dim3A_225 = vector.broadcast %jit3A_224 : i32 to vector<128x512xi32>
    %select_n3A_226 = arith.select %eq3A_223, %shift_left3A_210, %broadcast_in_dim3A_225 : vector<128x512xi1>, vector<128x512xi32>
    %add3A_227 = arith.addi %add3A_144, %select_n3A_226 : vector<128x512xi32>
    %eq3A_228 = arith.constant 2 : i32
    %eq3A_229 = vector.broadcast %eq3A_228 : i32 to vector<128x512xi32>
    %eq3A_230 = arith.cmpi eq, %shift_right_arithmetic3A_213, %eq3A_229 : vector<128x512xi32>
    %jit3A_231 = arith.constant 0 : i32
    %broadcast_in_dim3A_232 = vector.broadcast %jit3A_231 : i32 to vector<128x512xi32>
    %select_n3A_233 = arith.select %eq3A_230, %shift_left3A_210, %broadcast_in_dim3A_232 : vector<128x512xi1>, vector<128x512xi32>
    %add3A_234 = arith.addi %add3A_151, %select_n3A_233 : vector<128x512xi32>
    %eq3A_235 = arith.constant 3 : i32
    %eq3A_236 = vector.broadcast %eq3A_235 : i32 to vector<128x512xi32>
    %eq3A_237 = arith.cmpi eq, %shift_right_arithmetic3A_213, %eq3A_236 : vector<128x512xi32>
    %jit3A_238 = arith.constant 0 : i32
    %broadcast_in_dim3A_239 = vector.broadcast %jit3A_238 : i32 to vector<128x512xi32>
    %select_n3A_240 = arith.select %eq3A_237, %shift_left3A_210, %broadcast_in_dim3A_239 : vector<128x512xi1>, vector<128x512xi32>
    %add3A_241 = arith.addi %add3A_158, %select_n3A_240 : vector<128x512xi32>
    %eq3A_242 = arith.constant 4 : i32
    %eq3A_243 = vector.broadcast %eq3A_242 : i32 to vector<128x512xi32>
    %eq3A_244 = arith.cmpi eq, %shift_right_arithmetic3A_213, %eq3A_243 : vector<128x512xi32>
    %jit3A_245 = arith.constant 0 : i32
    %broadcast_in_dim3A_246 = vector.broadcast %jit3A_245 : i32 to vector<128x512xi32>
    %select_n3A_247 = arith.select %eq3A_244, %shift_left3A_210, %broadcast_in_dim3A_246 : vector<128x512xi1>, vector<128x512xi32>
    %add3A_248 = arith.addi %add3A_165, %select_n3A_247 : vector<128x512xi32>
    %get3A_249 = arith.constant 0 : index
    %get3A_250 = arith.constant 1536 : index
    %get3A_251 = vector.load %arg2[%get3A_249, %get3A_250] : memref<2x4096xf32, #tpu.memory_space<vmem>>, vector<1x512xf32>
    %get3A_252 = arith.constant 1 : index
    %get3A_253 = arith.constant 1536 : index
    %get3A_254 = vector.load %arg2[%get3A_252, %get3A_253] : memref<2x4096xf32, #tpu.memory_space<vmem>>, vector<1x512xf32>
    %sub3A_255 = vector.broadcast %get3A_251 : vector<1x512xf32> to vector<128x512xf32>
    %sub3A_256 = vector.broadcast %get3A_1 : vector<128x1xf32> to vector<128x512xf32>
    %sub3A_257 = arith.subf %sub3A_255, %sub3A_256 : vector<128x512xf32>
    %add3A_258 = arith.constant 3.000000e+00 : f32
    %add3A_259 = vector.broadcast %add3A_258 : f32 to vector<128x512xf32>
    %add3A_260 = arith.addf %sub3A_257, %add3A_259 : vector<128x512xf32>
    %sub3A_261 = vector.broadcast %get3A_254 : vector<1x512xf32> to vector<128x512xf32>
    %sub3A_262 = vector.broadcast %get3A_4 : vector<128x1xf32> to vector<128x512xf32>
    %sub3A_263 = arith.subf %sub3A_261, %sub3A_262 : vector<128x512xf32>
    %add3A_264 = arith.constant 3.000000e+00 : f32
    %add3A_265 = vector.broadcast %add3A_264 : f32 to vector<128x512xf32>
    %add3A_266 = arith.addf %sub3A_263, %add3A_265 : vector<128x512xf32>
    %min3A_267 = arith.minimumf %add3A_260, %add3A_266 : vector<128x512xf32>
    %ge3A_268 = arith.constant 0.000000e+00 : f32
    %ge3A_269 = vector.broadcast %ge3A_268 : f32 to vector<128x512xf32>
    %ge3A_270 = arith.cmpf oge, %min3A_267, %ge3A_269 : vector<128x512xf32>
    %max3A_271 = arith.maximumf %add3A_260, %add3A_266 : vector<128x512xf32>
    %lt3A_272 = arith.constant 6.000000e+00 : f32
    %lt3A_273 = vector.broadcast %lt3A_272 : f32 to vector<128x512xf32>
    %lt3A_274 = arith.cmpf olt, %max3A_271, %lt3A_273 : vector<128x512xf32>
    %and3A_275 = arith.andi %ge3A_270, %lt3A_274 : vector<128x512xi1>
    %convert_element_type3A_276 = arith.fptosi %add3A_260 : vector<128x512xf32> to vector<128x512xi32>
    %convert_element_type3A_277 = arith.fptosi %add3A_266 : vector<128x512xf32> to vector<128x512xi32>
    %mul3A_278 = arith.constant 6 : i32
    %mul3A_279 = vector.broadcast %mul3A_278 : i32 to vector<128x512xi32>
    %mul3A_280 = arith.muli %convert_element_type3A_276, %mul3A_279 : vector<128x512xi32>
    %add3A_281 = arith.addi %mul3A_280, %convert_element_type3A_277 : vector<128x512xi32>
    %jit3A_282 = arith.constant -1 : i32
    %broadcast_in_dim3A_283 = vector.broadcast %jit3A_282 : i32 to vector<128x512xi32>
    %select_n3A_284 = arith.select %and3A_275, %add3A_281, %broadcast_in_dim3A_283 : vector<128x512xi1>, vector<128x512xi32>
    %and3A_285 = arith.constant 7 : i32
    %and3A_286 = vector.broadcast %and3A_285 : i32 to vector<128x512xi32>
    %and3A_287 = arith.andi %select_n3A_284, %and3A_286 : vector<128x512xi32>
    %shift_left3A_288 = arith.constant 2 : i32
    %shift_left3A_289 = vector.broadcast %shift_left3A_288 : i32 to vector<128x512xi32>
    %shift_left3A_290 = arith.shli %and3A_287, %shift_left3A_289 : vector<128x512xi32>
    %shift_left3A_291 = arith.constant 1 : i32
    %shift_left3A_292 = vector.broadcast %shift_left3A_291 : i32 to vector<128x512xi32>
    %shift_left3A_293 = arith.shli %shift_left3A_292, %shift_left3A_290 : vector<128x512xi32>
    %shift_right_arithmetic3A_294 = arith.constant 3 : i32
    %shift_right_arithmetic3A_295 = vector.broadcast %shift_right_arithmetic3A_294 : i32 to vector<128x512xi32>
    %shift_right_arithmetic3A_296 = arith.shrsi %select_n3A_284, %shift_right_arithmetic3A_295 : vector<128x512xi32>
    %eq3A_297 = arith.constant 0 : i32
    %eq3A_298 = vector.broadcast %eq3A_297 : i32 to vector<128x512xi32>
    %eq3A_299 = arith.cmpi eq, %shift_right_arithmetic3A_296, %eq3A_298 : vector<128x512xi32>
    %jit3A_300 = arith.constant 0 : i32
    %broadcast_in_dim3A_301 = vector.broadcast %jit3A_300 : i32 to vector<128x512xi32>
    %select_n3A_302 = arith.select %eq3A_299, %shift_left3A_293, %broadcast_in_dim3A_301 : vector<128x512xi1>, vector<128x512xi32>
    %add3A_303 = arith.addi %add3A_220, %select_n3A_302 : vector<128x512xi32>
    %eq3A_304 = arith.constant 1 : i32
    %eq3A_305 = vector.broadcast %eq3A_304 : i32 to vector<128x512xi32>
    %eq3A_306 = arith.cmpi eq, %shift_right_arithmetic3A_296, %eq3A_305 : vector<128x512xi32>
    %jit3A_307 = arith.constant 0 : i32
    %broadcast_in_dim3A_308 = vector.broadcast %jit3A_307 : i32 to vector<128x512xi32>
    %select_n3A_309 = arith.select %eq3A_306, %shift_left3A_293, %broadcast_in_dim3A_308 : vector<128x512xi1>, vector<128x512xi32>
    %add3A_310 = arith.addi %add3A_227, %select_n3A_309 : vector<128x512xi32>
    %eq3A_311 = arith.constant 2 : i32
    %eq3A_312 = vector.broadcast %eq3A_311 : i32 to vector<128x512xi32>
    %eq3A_313 = arith.cmpi eq, %shift_right_arithmetic3A_296, %eq3A_312 : vector<128x512xi32>
    %jit3A_314 = arith.constant 0 : i32
    %broadcast_in_dim3A_315 = vector.broadcast %jit3A_314 : i32 to vector<128x512xi32>
    %select_n3A_316 = arith.select %eq3A_313, %shift_left3A_293, %broadcast_in_dim3A_315 : vector<128x512xi1>, vector<128x512xi32>
    %add3A_317 = arith.addi %add3A_234, %select_n3A_316 : vector<128x512xi32>
    %eq3A_318 = arith.constant 3 : i32
    %eq3A_319 = vector.broadcast %eq3A_318 : i32 to vector<128x512xi32>
    %eq3A_320 = arith.cmpi eq, %shift_right_arithmetic3A_296, %eq3A_319 : vector<128x512xi32>
    %jit3A_321 = arith.constant 0 : i32
    %broadcast_in_dim3A_322 = vector.broadcast %jit3A_321 : i32 to vector<128x512xi32>
    %select_n3A_323 = arith.select %eq3A_320, %shift_left3A_293, %broadcast_in_dim3A_322 : vector<128x512xi1>, vector<128x512xi32>
    %add3A_324 = arith.addi %add3A_241, %select_n3A_323 : vector<128x512xi32>
    %eq3A_325 = arith.constant 4 : i32
    %eq3A_326 = vector.broadcast %eq3A_325 : i32 to vector<128x512xi32>
    %eq3A_327 = arith.cmpi eq, %shift_right_arithmetic3A_296, %eq3A_326 : vector<128x512xi32>
    %jit3A_328 = arith.constant 0 : i32
    %broadcast_in_dim3A_329 = vector.broadcast %jit3A_328 : i32 to vector<128x512xi32>
    %select_n3A_330 = arith.select %eq3A_327, %shift_left3A_293, %broadcast_in_dim3A_329 : vector<128x512xi1>, vector<128x512xi32>
    %add3A_331 = arith.addi %add3A_248, %select_n3A_330 : vector<128x512xi32>
    %get3A_332 = arith.constant 0 : index
    %get3A_333 = arith.constant 2048 : index
    %get3A_334 = vector.load %arg2[%get3A_332, %get3A_333] : memref<2x4096xf32, #tpu.memory_space<vmem>>, vector<1x512xf32>
    %get3A_335 = arith.constant 1 : index
    %get3A_336 = arith.constant 2048 : index
    %get3A_337 = vector.load %arg2[%get3A_335, %get3A_336] : memref<2x4096xf32, #tpu.memory_space<vmem>>, vector<1x512xf32>
    %sub3A_338 = vector.broadcast %get3A_334 : vector<1x512xf32> to vector<128x512xf32>
    %sub3A_339 = vector.broadcast %get3A_1 : vector<128x1xf32> to vector<128x512xf32>
    %sub3A_340 = arith.subf %sub3A_338, %sub3A_339 : vector<128x512xf32>
    %add3A_341 = arith.constant 3.000000e+00 : f32
    %add3A_342 = vector.broadcast %add3A_341 : f32 to vector<128x512xf32>
    %add3A_343 = arith.addf %sub3A_340, %add3A_342 : vector<128x512xf32>
    %sub3A_344 = vector.broadcast %get3A_337 : vector<1x512xf32> to vector<128x512xf32>
    %sub3A_345 = vector.broadcast %get3A_4 : vector<128x1xf32> to vector<128x512xf32>
    %sub3A_346 = arith.subf %sub3A_344, %sub3A_345 : vector<128x512xf32>
    %add3A_347 = arith.constant 3.000000e+00 : f32
    %add3A_348 = vector.broadcast %add3A_347 : f32 to vector<128x512xf32>
    %add3A_349 = arith.addf %sub3A_346, %add3A_348 : vector<128x512xf32>
    %min3A_350 = arith.minimumf %add3A_343, %add3A_349 : vector<128x512xf32>
    %ge3A_351 = arith.constant 0.000000e+00 : f32
    %ge3A_352 = vector.broadcast %ge3A_351 : f32 to vector<128x512xf32>
    %ge3A_353 = arith.cmpf oge, %min3A_350, %ge3A_352 : vector<128x512xf32>
    %max3A_354 = arith.maximumf %add3A_343, %add3A_349 : vector<128x512xf32>
    %lt3A_355 = arith.constant 6.000000e+00 : f32
    %lt3A_356 = vector.broadcast %lt3A_355 : f32 to vector<128x512xf32>
    %lt3A_357 = arith.cmpf olt, %max3A_354, %lt3A_356 : vector<128x512xf32>
    %and3A_358 = arith.andi %ge3A_353, %lt3A_357 : vector<128x512xi1>
    %convert_element_type3A_359 = arith.fptosi %add3A_343 : vector<128x512xf32> to vector<128x512xi32>
    %convert_element_type3A_360 = arith.fptosi %add3A_349 : vector<128x512xf32> to vector<128x512xi32>
    %mul3A_361 = arith.constant 6 : i32
    %mul3A_362 = vector.broadcast %mul3A_361 : i32 to vector<128x512xi32>
    %mul3A_363 = arith.muli %convert_element_type3A_359, %mul3A_362 : vector<128x512xi32>
    %add3A_364 = arith.addi %mul3A_363, %convert_element_type3A_360 : vector<128x512xi32>
    %jit3A_365 = arith.constant -1 : i32
    %broadcast_in_dim3A_366 = vector.broadcast %jit3A_365 : i32 to vector<128x512xi32>
    %select_n3A_367 = arith.select %and3A_358, %add3A_364, %broadcast_in_dim3A_366 : vector<128x512xi1>, vector<128x512xi32>
    %and3A_368 = arith.constant 7 : i32
    %and3A_369 = vector.broadcast %and3A_368 : i32 to vector<128x512xi32>
    %and3A_370 = arith.andi %select_n3A_367, %and3A_369 : vector<128x512xi32>
    %shift_left3A_371 = arith.constant 2 : i32
    %shift_left3A_372 = vector.broadcast %shift_left3A_371 : i32 to vector<128x512xi32>
    %shift_left3A_373 = arith.shli %and3A_370, %shift_left3A_372 : vector<128x512xi32>
    %shift_left3A_374 = arith.constant 1 : i32
    %shift_left3A_375 = vector.broadcast %shift_left3A_374 : i32 to vector<128x512xi32>
    %shift_left3A_376 = arith.shli %shift_left3A_375, %shift_left3A_373 : vector<128x512xi32>
    %shift_right_arithmetic3A_377 = arith.constant 3 : i32
    %shift_right_arithmetic3A_378 = vector.broadcast %shift_right_arithmetic3A_377 : i32 to vector<128x512xi32>
    %shift_right_arithmetic3A_379 = arith.shrsi %select_n3A_367, %shift_right_arithmetic3A_378 : vector<128x512xi32>
    %eq3A_380 = arith.constant 0 : i32
    %eq3A_381 = vector.broadcast %eq3A_380 : i32 to vector<128x512xi32>
    %eq3A_382 = arith.cmpi eq, %shift_right_arithmetic3A_379, %eq3A_381 : vector<128x512xi32>
    %jit3A_383 = arith.constant 0 : i32
    %broadcast_in_dim3A_384 = vector.broadcast %jit3A_383 : i32 to vector<128x512xi32>
    %select_n3A_385 = arith.select %eq3A_382, %shift_left3A_376, %broadcast_in_dim3A_384 : vector<128x512xi1>, vector<128x512xi32>
    %add3A_386 = arith.addi %add3A_303, %select_n3A_385 : vector<128x512xi32>
    %eq3A_387 = arith.constant 1 : i32
    %eq3A_388 = vector.broadcast %eq3A_387 : i32 to vector<128x512xi32>
    %eq3A_389 = arith.cmpi eq, %shift_right_arithmetic3A_379, %eq3A_388 : vector<128x512xi32>
    %jit3A_390 = arith.constant 0 : i32
    %broadcast_in_dim3A_391 = vector.broadcast %jit3A_390 : i32 to vector<128x512xi32>
    %select_n3A_392 = arith.select %eq3A_389, %shift_left3A_376, %broadcast_in_dim3A_391 : vector<128x512xi1>, vector<128x512xi32>
    %add3A_393 = arith.addi %add3A_310, %select_n3A_392 : vector<128x512xi32>
    %eq3A_394 = arith.constant 2 : i32
    %eq3A_395 = vector.broadcast %eq3A_394 : i32 to vector<128x512xi32>
    %eq3A_396 = arith.cmpi eq, %shift_right_arithmetic3A_379, %eq3A_395 : vector<128x512xi32>
    %jit3A_397 = arith.constant 0 : i32
    %broadcast_in_dim3A_398 = vector.broadcast %jit3A_397 : i32 to vector<128x512xi32>
    %select_n3A_399 = arith.select %eq3A_396, %shift_left3A_376, %broadcast_in_dim3A_398 : vector<128x512xi1>, vector<128x512xi32>
    %add3A_400 = arith.addi %add3A_317, %select_n3A_399 : vector<128x512xi32>
    %eq3A_401 = arith.constant 3 : i32
    %eq3A_402 = vector.broadcast %eq3A_401 : i32 to vector<128x512xi32>
    %eq3A_403 = arith.cmpi eq, %shift_right_arithmetic3A_379, %eq3A_402 : vector<128x512xi32>
    %jit3A_404 = arith.constant 0 : i32
    %broadcast_in_dim3A_405 = vector.broadcast %jit3A_404 : i32 to vector<128x512xi32>
    %select_n3A_406 = arith.select %eq3A_403, %shift_left3A_376, %broadcast_in_dim3A_405 : vector<128x512xi1>, vector<128x512xi32>
    %add3A_407 = arith.addi %add3A_324, %select_n3A_406 : vector<128x512xi32>
    %eq3A_408 = arith.constant 4 : i32
    %eq3A_409 = vector.broadcast %eq3A_408 : i32 to vector<128x512xi32>
    %eq3A_410 = arith.cmpi eq, %shift_right_arithmetic3A_379, %eq3A_409 : vector<128x512xi32>
    %jit3A_411 = arith.constant 0 : i32
    %broadcast_in_dim3A_412 = vector.broadcast %jit3A_411 : i32 to vector<128x512xi32>
    %select_n3A_413 = arith.select %eq3A_410, %shift_left3A_376, %broadcast_in_dim3A_412 : vector<128x512xi1>, vector<128x512xi32>
    %add3A_414 = arith.addi %add3A_331, %select_n3A_413 : vector<128x512xi32>
    %get3A_415 = arith.constant 0 : index
    %get3A_416 = arith.constant 2560 : index
    %get3A_417 = vector.load %arg2[%get3A_415, %get3A_416] : memref<2x4096xf32, #tpu.memory_space<vmem>>, vector<1x512xf32>
    %get3A_418 = arith.constant 1 : index
    %get3A_419 = arith.constant 2560 : index
    %get3A_420 = vector.load %arg2[%get3A_418, %get3A_419] : memref<2x4096xf32, #tpu.memory_space<vmem>>, vector<1x512xf32>
    %sub3A_421 = vector.broadcast %get3A_417 : vector<1x512xf32> to vector<128x512xf32>
    %sub3A_422 = vector.broadcast %get3A_1 : vector<128x1xf32> to vector<128x512xf32>
    %sub3A_423 = arith.subf %sub3A_421, %sub3A_422 : vector<128x512xf32>
    %add3A_424 = arith.constant 3.000000e+00 : f32
    %add3A_425 = vector.broadcast %add3A_424 : f32 to vector<128x512xf32>
    %add3A_426 = arith.addf %sub3A_423, %add3A_425 : vector<128x512xf32>
    %sub3A_427 = vector.broadcast %get3A_420 : vector<1x512xf32> to vector<128x512xf32>
    %sub3A_428 = vector.broadcast %get3A_4 : vector<128x1xf32> to vector<128x512xf32>
    %sub3A_429 = arith.subf %sub3A_427, %sub3A_428 : vector<128x512xf32>
    %add3A_430 = arith.constant 3.000000e+00 : f32
    %add3A_431 = vector.broadcast %add3A_430 : f32 to vector<128x512xf32>
    %add3A_432 = arith.addf %sub3A_429, %add3A_431 : vector<128x512xf32>
    %min3A_433 = arith.minimumf %add3A_426, %add3A_432 : vector<128x512xf32>
    %ge3A_434 = arith.constant 0.000000e+00 : f32
    %ge3A_435 = vector.broadcast %ge3A_434 : f32 to vector<128x512xf32>
    %ge3A_436 = arith.cmpf oge, %min3A_433, %ge3A_435 : vector<128x512xf32>
    %max3A_437 = arith.maximumf %add3A_426, %add3A_432 : vector<128x512xf32>
    %lt3A_438 = arith.constant 6.000000e+00 : f32
    %lt3A_439 = vector.broadcast %lt3A_438 : f32 to vector<128x512xf32>
    %lt3A_440 = arith.cmpf olt, %max3A_437, %lt3A_439 : vector<128x512xf32>
    %and3A_441 = arith.andi %ge3A_436, %lt3A_440 : vector<128x512xi1>
    %convert_element_type3A_442 = arith.fptosi %add3A_426 : vector<128x512xf32> to vector<128x512xi32>
    %convert_element_type3A_443 = arith.fptosi %add3A_432 : vector<128x512xf32> to vector<128x512xi32>
    %mul3A_444 = arith.constant 6 : i32
    %mul3A_445 = vector.broadcast %mul3A_444 : i32 to vector<128x512xi32>
    %mul3A_446 = arith.muli %convert_element_type3A_442, %mul3A_445 : vector<128x512xi32>
    %add3A_447 = arith.addi %mul3A_446, %convert_element_type3A_443 : vector<128x512xi32>
    %jit3A_448 = arith.constant -1 : i32
    %broadcast_in_dim3A_449 = vector.broadcast %jit3A_448 : i32 to vector<128x512xi32>
    %select_n3A_450 = arith.select %and3A_441, %add3A_447, %broadcast_in_dim3A_449 : vector<128x512xi1>, vector<128x512xi32>
    %and3A_451 = arith.constant 7 : i32
    %and3A_452 = vector.broadcast %and3A_451 : i32 to vector<128x512xi32>
    %and3A_453 = arith.andi %select_n3A_450, %and3A_452 : vector<128x512xi32>
    %shift_left3A_454 = arith.constant 2 : i32
    %shift_left3A_455 = vector.broadcast %shift_left3A_454 : i32 to vector<128x512xi32>
    %shift_left3A_456 = arith.shli %and3A_453, %shift_left3A_455 : vector<128x512xi32>
    %shift_left3A_457 = arith.constant 1 : i32
    %shift_left3A_458 = vector.broadcast %shift_left3A_457 : i32 to vector<128x512xi32>
    %shift_left3A_459 = arith.shli %shift_left3A_458, %shift_left3A_456 : vector<128x512xi32>
    %shift_right_arithmetic3A_460 = arith.constant 3 : i32
    %shift_right_arithmetic3A_461 = vector.broadcast %shift_right_arithmetic3A_460 : i32 to vector<128x512xi32>
    %shift_right_arithmetic3A_462 = arith.shrsi %select_n3A_450, %shift_right_arithmetic3A_461 : vector<128x512xi32>
    %eq3A_463 = arith.constant 0 : i32
    %eq3A_464 = vector.broadcast %eq3A_463 : i32 to vector<128x512xi32>
    %eq3A_465 = arith.cmpi eq, %shift_right_arithmetic3A_462, %eq3A_464 : vector<128x512xi32>
    %jit3A_466 = arith.constant 0 : i32
    %broadcast_in_dim3A_467 = vector.broadcast %jit3A_466 : i32 to vector<128x512xi32>
    %select_n3A_468 = arith.select %eq3A_465, %shift_left3A_459, %broadcast_in_dim3A_467 : vector<128x512xi1>, vector<128x512xi32>
    %add3A_469 = arith.addi %add3A_386, %select_n3A_468 : vector<128x512xi32>
    %eq3A_470 = arith.constant 1 : i32
    %eq3A_471 = vector.broadcast %eq3A_470 : i32 to vector<128x512xi32>
    %eq3A_472 = arith.cmpi eq, %shift_right_arithmetic3A_462, %eq3A_471 : vector<128x512xi32>
    %jit3A_473 = arith.constant 0 : i32
    %broadcast_in_dim3A_474 = vector.broadcast %jit3A_473 : i32 to vector<128x512xi32>
    %select_n3A_475 = arith.select %eq3A_472, %shift_left3A_459, %broadcast_in_dim3A_474 : vector<128x512xi1>, vector<128x512xi32>
    %add3A_476 = arith.addi %add3A_393, %select_n3A_475 : vector<128x512xi32>
    %eq3A_477 = arith.constant 2 : i32
    %eq3A_478 = vector.broadcast %eq3A_477 : i32 to vector<128x512xi32>
    %eq3A_479 = arith.cmpi eq, %shift_right_arithmetic3A_462, %eq3A_478 : vector<128x512xi32>
    %jit3A_480 = arith.constant 0 : i32
    %broadcast_in_dim3A_481 = vector.broadcast %jit3A_480 : i32 to vector<128x512xi32>
    %select_n3A_482 = arith.select %eq3A_479, %shift_left3A_459, %broadcast_in_dim3A_481 : vector<128x512xi1>, vector<128x512xi32>
    %add3A_483 = arith.addi %add3A_400, %select_n3A_482 : vector<128x512xi32>
    %eq3A_484 = arith.constant 3 : i32
    %eq3A_485 = vector.broadcast %eq3A_484 : i32 to vector<128x512xi32>
    %eq3A_486 = arith.cmpi eq, %shift_right_arithmetic3A_462, %eq3A_485 : vector<128x512xi32>
    %jit3A_487 = arith.constant 0 : i32
    %broadcast_in_dim3A_488 = vector.broadcast %jit3A_487 : i32 to vector<128x512xi32>
    %select_n3A_489 = arith.select %eq3A_486, %shift_left3A_459, %broadcast_in_dim3A_488 : vector<128x512xi1>, vector<128x512xi32>
    %add3A_490 = arith.addi %add3A_407, %select_n3A_489 : vector<128x512xi32>
    %eq3A_491 = arith.constant 4 : i32
    %eq3A_492 = vector.broadcast %eq3A_491 : i32 to vector<128x512xi32>
    %eq3A_493 = arith.cmpi eq, %shift_right_arithmetic3A_462, %eq3A_492 : vector<128x512xi32>
    %jit3A_494 = arith.constant 0 : i32
    %broadcast_in_dim3A_495 = vector.broadcast %jit3A_494 : i32 to vector<128x512xi32>
    %select_n3A_496 = arith.select %eq3A_493, %shift_left3A_459, %broadcast_in_dim3A_495 : vector<128x512xi1>, vector<128x512xi32>
    %add3A_497 = arith.addi %add3A_414, %select_n3A_496 : vector<128x512xi32>
    %get3A_498 = arith.constant 0 : index
    %get3A_499 = arith.constant 3072 : index
    %get3A_500 = vector.load %arg2[%get3A_498, %get3A_499] : memref<2x4096xf32, #tpu.memory_space<vmem>>, vector<1x512xf32>
    %get3A_501 = arith.constant 1 : index
    %get3A_502 = arith.constant 3072 : index
    %get3A_503 = vector.load %arg2[%get3A_501, %get3A_502] : memref<2x4096xf32, #tpu.memory_space<vmem>>, vector<1x512xf32>
    %sub3A_504 = vector.broadcast %get3A_500 : vector<1x512xf32> to vector<128x512xf32>
    %sub3A_505 = vector.broadcast %get3A_1 : vector<128x1xf32> to vector<128x512xf32>
    %sub3A_506 = arith.subf %sub3A_504, %sub3A_505 : vector<128x512xf32>
    %add3A_507 = arith.constant 3.000000e+00 : f32
    %add3A_508 = vector.broadcast %add3A_507 : f32 to vector<128x512xf32>
    %add3A_509 = arith.addf %sub3A_506, %add3A_508 : vector<128x512xf32>
    %sub3A_510 = vector.broadcast %get3A_503 : vector<1x512xf32> to vector<128x512xf32>
    %sub3A_511 = vector.broadcast %get3A_4 : vector<128x1xf32> to vector<128x512xf32>
    %sub3A_512 = arith.subf %sub3A_510, %sub3A_511 : vector<128x512xf32>
    %add3A_513 = arith.constant 3.000000e+00 : f32
    %add3A_514 = vector.broadcast %add3A_513 : f32 to vector<128x512xf32>
    %add3A_515 = arith.addf %sub3A_512, %add3A_514 : vector<128x512xf32>
    %min3A_516 = arith.minimumf %add3A_509, %add3A_515 : vector<128x512xf32>
    %ge3A_517 = arith.constant 0.000000e+00 : f32
    %ge3A_518 = vector.broadcast %ge3A_517 : f32 to vector<128x512xf32>
    %ge3A_519 = arith.cmpf oge, %min3A_516, %ge3A_518 : vector<128x512xf32>
    %max3A_520 = arith.maximumf %add3A_509, %add3A_515 : vector<128x512xf32>
    %lt3A_521 = arith.constant 6.000000e+00 : f32
    %lt3A_522 = vector.broadcast %lt3A_521 : f32 to vector<128x512xf32>
    %lt3A_523 = arith.cmpf olt, %max3A_520, %lt3A_522 : vector<128x512xf32>
    %and3A_524 = arith.andi %ge3A_519, %lt3A_523 : vector<128x512xi1>
    %convert_element_type3A_525 = arith.fptosi %add3A_509 : vector<128x512xf32> to vector<128x512xi32>
    %convert_element_type3A_526 = arith.fptosi %add3A_515 : vector<128x512xf32> to vector<128x512xi32>
    %mul3A_527 = arith.constant 6 : i32
    %mul3A_528 = vector.broadcast %mul3A_527 : i32 to vector<128x512xi32>
    %mul3A_529 = arith.muli %convert_element_type3A_525, %mul3A_528 : vector<128x512xi32>
    %add3A_530 = arith.addi %mul3A_529, %convert_element_type3A_526 : vector<128x512xi32>
    %jit3A_531 = arith.constant -1 : i32
    %broadcast_in_dim3A_532 = vector.broadcast %jit3A_531 : i32 to vector<128x512xi32>
    %select_n3A_533 = arith.select %and3A_524, %add3A_530, %broadcast_in_dim3A_532 : vector<128x512xi1>, vector<128x512xi32>
    %and3A_534 = arith.constant 7 : i32
    %and3A_535 = vector.broadcast %and3A_534 : i32 to vector<128x512xi32>
    %and3A_536 = arith.andi %select_n3A_533, %and3A_535 : vector<128x512xi32>
    %shift_left3A_537 = arith.constant 2 : i32
    %shift_left3A_538 = vector.broadcast %shift_left3A_537 : i32 to vector<128x512xi32>
    %shift_left3A_539 = arith.shli %and3A_536, %shift_left3A_538 : vector<128x512xi32>
    %shift_left3A_540 = arith.constant 1 : i32
    %shift_left3A_541 = vector.broadcast %shift_left3A_540 : i32 to vector<128x512xi32>
    %shift_left3A_542 = arith.shli %shift_left3A_541, %shift_left3A_539 : vector<128x512xi32>
    %shift_right_arithmetic3A_543 = arith.constant 3 : i32
    %shift_right_arithmetic3A_544 = vector.broadcast %shift_right_arithmetic3A_543 : i32 to vector<128x512xi32>
    %shift_right_arithmetic3A_545 = arith.shrsi %select_n3A_533, %shift_right_arithmetic3A_544 : vector<128x512xi32>
    %eq3A_546 = arith.constant 0 : i32
    %eq3A_547 = vector.broadcast %eq3A_546 : i32 to vector<128x512xi32>
    %eq3A_548 = arith.cmpi eq, %shift_right_arithmetic3A_545, %eq3A_547 : vector<128x512xi32>
    %jit3A_549 = arith.constant 0 : i32
    %broadcast_in_dim3A_550 = vector.broadcast %jit3A_549 : i32 to vector<128x512xi32>
    %select_n3A_551 = arith.select %eq3A_548, %shift_left3A_542, %broadcast_in_dim3A_550 : vector<128x512xi1>, vector<128x512xi32>
    %add3A_552 = arith.addi %add3A_469, %select_n3A_551 : vector<128x512xi32>
    %eq3A_553 = arith.constant 1 : i32
    %eq3A_554 = vector.broadcast %eq3A_553 : i32 to vector<128x512xi32>
    %eq3A_555 = arith.cmpi eq, %shift_right_arithmetic3A_545, %eq3A_554 : vector<128x512xi32>
    %jit3A_556 = arith.constant 0 : i32
    %broadcast_in_dim3A_557 = vector.broadcast %jit3A_556 : i32 to vector<128x512xi32>
    %select_n3A_558 = arith.select %eq3A_555, %shift_left3A_542, %broadcast_in_dim3A_557 : vector<128x512xi1>, vector<128x512xi32>
    %add3A_559 = arith.addi %add3A_476, %select_n3A_558 : vector<128x512xi32>
    %eq3A_560 = arith.constant 2 : i32
    %eq3A_561 = vector.broadcast %eq3A_560 : i32 to vector<128x512xi32>
    %eq3A_562 = arith.cmpi eq, %shift_right_arithmetic3A_545, %eq3A_561 : vector<128x512xi32>
    %jit3A_563 = arith.constant 0 : i32
    %broadcast_in_dim3A_564 = vector.broadcast %jit3A_563 : i32 to vector<128x512xi32>
    %select_n3A_565 = arith.select %eq3A_562, %shift_left3A_542, %broadcast_in_dim3A_564 : vector<128x512xi1>, vector<128x512xi32>
    %add3A_566 = arith.addi %add3A_483, %select_n3A_565 : vector<128x512xi32>
    %eq3A_567 = arith.constant 3 : i32
    %eq3A_568 = vector.broadcast %eq3A_567 : i32 to vector<128x512xi32>
    %eq3A_569 = arith.cmpi eq, %shift_right_arithmetic3A_545, %eq3A_568 : vector<128x512xi32>
    %jit3A_570 = arith.constant 0 : i32
    %broadcast_in_dim3A_571 = vector.broadcast %jit3A_570 : i32 to vector<128x512xi32>
    %select_n3A_572 = arith.select %eq3A_569, %shift_left3A_542, %broadcast_in_dim3A_571 : vector<128x512xi1>, vector<128x512xi32>
    %add3A_573 = arith.addi %add3A_490, %select_n3A_572 : vector<128x512xi32>
    %eq3A_574 = arith.constant 4 : i32
    %eq3A_575 = vector.broadcast %eq3A_574 : i32 to vector<128x512xi32>
    %eq3A_576 = arith.cmpi eq, %shift_right_arithmetic3A_545, %eq3A_575 : vector<128x512xi32>
    %jit3A_577 = arith.constant 0 : i32
    %broadcast_in_dim3A_578 = vector.broadcast %jit3A_577 : i32 to vector<128x512xi32>
    %select_n3A_579 = arith.select %eq3A_576, %shift_left3A_542, %broadcast_in_dim3A_578 : vector<128x512xi1>, vector<128x512xi32>
    %add3A_580 = arith.addi %add3A_497, %select_n3A_579 : vector<128x512xi32>
    %get3A_581 = arith.constant 0 : index
    %get3A_582 = arith.constant 3584 : index
    %get3A_583 = vector.load %arg2[%get3A_581, %get3A_582] : memref<2x4096xf32, #tpu.memory_space<vmem>>, vector<1x512xf32>
    %get3A_584 = arith.constant 1 : index
    %get3A_585 = arith.constant 3584 : index
    %get3A_586 = vector.load %arg2[%get3A_584, %get3A_585] : memref<2x4096xf32, #tpu.memory_space<vmem>>, vector<1x512xf32>
    %sub3A_587 = vector.broadcast %get3A_583 : vector<1x512xf32> to vector<128x512xf32>
    %sub3A_588 = vector.broadcast %get3A_1 : vector<128x1xf32> to vector<128x512xf32>
    %sub3A_589 = arith.subf %sub3A_587, %sub3A_588 : vector<128x512xf32>
    %add3A_590 = arith.constant 3.000000e+00 : f32
    %add3A_591 = vector.broadcast %add3A_590 : f32 to vector<128x512xf32>
    %add3A_592 = arith.addf %sub3A_589, %add3A_591 : vector<128x512xf32>
    %sub3A_593 = vector.broadcast %get3A_586 : vector<1x512xf32> to vector<128x512xf32>
    %sub3A_594 = vector.broadcast %get3A_4 : vector<128x1xf32> to vector<128x512xf32>
    %sub3A_595 = arith.subf %sub3A_593, %sub3A_594 : vector<128x512xf32>
    %add3A_596 = arith.constant 3.000000e+00 : f32
    %add3A_597 = vector.broadcast %add3A_596 : f32 to vector<128x512xf32>
    %add3A_598 = arith.addf %sub3A_595, %add3A_597 : vector<128x512xf32>
    %min3A_599 = arith.minimumf %add3A_592, %add3A_598 : vector<128x512xf32>
    %ge3A_600 = arith.constant 0.000000e+00 : f32
    %ge3A_601 = vector.broadcast %ge3A_600 : f32 to vector<128x512xf32>
    %ge3A_602 = arith.cmpf oge, %min3A_599, %ge3A_601 : vector<128x512xf32>
    %max3A_603 = arith.maximumf %add3A_592, %add3A_598 : vector<128x512xf32>
    %lt3A_604 = arith.constant 6.000000e+00 : f32
    %lt3A_605 = vector.broadcast %lt3A_604 : f32 to vector<128x512xf32>
    %lt3A_606 = arith.cmpf olt, %max3A_603, %lt3A_605 : vector<128x512xf32>
    %and3A_607 = arith.andi %ge3A_602, %lt3A_606 : vector<128x512xi1>
    %convert_element_type3A_608 = arith.fptosi %add3A_592 : vector<128x512xf32> to vector<128x512xi32>
    %convert_element_type3A_609 = arith.fptosi %add3A_598 : vector<128x512xf32> to vector<128x512xi32>
    %mul3A_610 = arith.constant 6 : i32
    %mul3A_611 = vector.broadcast %mul3A_610 : i32 to vector<128x512xi32>
    %mul3A_612 = arith.muli %convert_element_type3A_608, %mul3A_611 : vector<128x512xi32>
    %add3A_613 = arith.addi %mul3A_612, %convert_element_type3A_609 : vector<128x512xi32>
    %jit3A_614 = arith.constant -1 : i32
    %broadcast_in_dim3A_615 = vector.broadcast %jit3A_614 : i32 to vector<128x512xi32>
    %select_n3A_616 = arith.select %and3A_607, %add3A_613, %broadcast_in_dim3A_615 : vector<128x512xi1>, vector<128x512xi32>
    %and3A_617 = arith.constant 7 : i32
    %and3A_618 = vector.broadcast %and3A_617 : i32 to vector<128x512xi32>
    %and3A_619 = arith.andi %select_n3A_616, %and3A_618 : vector<128x512xi32>
    %shift_left3A_620 = arith.constant 2 : i32
    %shift_left3A_621 = vector.broadcast %shift_left3A_620 : i32 to vector<128x512xi32>
    %shift_left3A_622 = arith.shli %and3A_619, %shift_left3A_621 : vector<128x512xi32>
    %shift_left3A_623 = arith.constant 1 : i32
    %shift_left3A_624 = vector.broadcast %shift_left3A_623 : i32 to vector<128x512xi32>
    %shift_left3A_625 = arith.shli %shift_left3A_624, %shift_left3A_622 : vector<128x512xi32>
    %shift_right_arithmetic3A_626 = arith.constant 3 : i32
    %shift_right_arithmetic3A_627 = vector.broadcast %shift_right_arithmetic3A_626 : i32 to vector<128x512xi32>
    %shift_right_arithmetic3A_628 = arith.shrsi %select_n3A_616, %shift_right_arithmetic3A_627 : vector<128x512xi32>
    %eq3A_629 = arith.constant 0 : i32
    %eq3A_630 = vector.broadcast %eq3A_629 : i32 to vector<128x512xi32>
    %eq3A_631 = arith.cmpi eq, %shift_right_arithmetic3A_628, %eq3A_630 : vector<128x512xi32>
    %jit3A_632 = arith.constant 0 : i32
    %broadcast_in_dim3A_633 = vector.broadcast %jit3A_632 : i32 to vector<128x512xi32>
    %select_n3A_634 = arith.select %eq3A_631, %shift_left3A_625, %broadcast_in_dim3A_633 : vector<128x512xi1>, vector<128x512xi32>
    %add3A_635 = arith.addi %add3A_552, %select_n3A_634 : vector<128x512xi32>
    %eq3A_636 = arith.constant 1 : i32
    %eq3A_637 = vector.broadcast %eq3A_636 : i32 to vector<128x512xi32>
    %eq3A_638 = arith.cmpi eq, %shift_right_arithmetic3A_628, %eq3A_637 : vector<128x512xi32>
    %jit3A_639 = arith.constant 0 : i32
    %broadcast_in_dim3A_640 = vector.broadcast %jit3A_639 : i32 to vector<128x512xi32>
    %select_n3A_641 = arith.select %eq3A_638, %shift_left3A_625, %broadcast_in_dim3A_640 : vector<128x512xi1>, vector<128x512xi32>
    %add3A_642 = arith.addi %add3A_559, %select_n3A_641 : vector<128x512xi32>
    %eq3A_643 = arith.constant 2 : i32
    %eq3A_644 = vector.broadcast %eq3A_643 : i32 to vector<128x512xi32>
    %eq3A_645 = arith.cmpi eq, %shift_right_arithmetic3A_628, %eq3A_644 : vector<128x512xi32>
    %jit3A_646 = arith.constant 0 : i32
    %broadcast_in_dim3A_647 = vector.broadcast %jit3A_646 : i32 to vector<128x512xi32>
    %select_n3A_648 = arith.select %eq3A_645, %shift_left3A_625, %broadcast_in_dim3A_647 : vector<128x512xi1>, vector<128x512xi32>
    %add3A_649 = arith.addi %add3A_566, %select_n3A_648 : vector<128x512xi32>
    %eq3A_650 = arith.constant 3 : i32
    %eq3A_651 = vector.broadcast %eq3A_650 : i32 to vector<128x512xi32>
    %eq3A_652 = arith.cmpi eq, %shift_right_arithmetic3A_628, %eq3A_651 : vector<128x512xi32>
    %jit3A_653 = arith.constant 0 : i32
    %broadcast_in_dim3A_654 = vector.broadcast %jit3A_653 : i32 to vector<128x512xi32>
    %select_n3A_655 = arith.select %eq3A_652, %shift_left3A_625, %broadcast_in_dim3A_654 : vector<128x512xi1>, vector<128x512xi32>
    %add3A_656 = arith.addi %add3A_573, %select_n3A_655 : vector<128x512xi32>
    %eq3A_657 = arith.constant 4 : i32
    %eq3A_658 = vector.broadcast %eq3A_657 : i32 to vector<128x512xi32>
    %eq3A_659 = arith.cmpi eq, %shift_right_arithmetic3A_628, %eq3A_658 : vector<128x512xi32>
    %jit3A_660 = arith.constant 0 : i32
    %broadcast_in_dim3A_661 = vector.broadcast %jit3A_660 : i32 to vector<128x512xi32>
    %select_n3A_662 = arith.select %eq3A_659, %shift_left3A_625, %broadcast_in_dim3A_661 : vector<128x512xi1>, vector<128x512xi32>
    %add3A_663 = arith.addi %add3A_580, %select_n3A_662 : vector<128x512xi32>
    %mul3A_664 = arith.constant 0.000000e+00 : f32
    %mul3A_665 = vector.broadcast %mul3A_664 : f32 to vector<128x1xf32>
    %mul3A_666 = arith.mulf %get3A_1, %mul3A_665 : vector<128x1xf32>
    %eq3A_667 = arith.constant 0.000000e+00 : f32
    %eq3A_668 = vector.broadcast %eq3A_667 : f32 to vector<128x1xf32>
    %eq3A_669 = arith.cmpf oeq, %mul3A_666, %eq3A_668 : vector<128x1xf32>
    %mul3A_670 = arith.constant 0.000000e+00 : f32
    %mul3A_671 = vector.broadcast %mul3A_670 : f32 to vector<128x1xf32>
    %mul3A_672 = arith.mulf %get3A_4, %mul3A_671 : vector<128x1xf32>
    %eq3A_673 = arith.constant 0.000000e+00 : f32
    %eq3A_674 = vector.broadcast %eq3A_673 : f32 to vector<128x1xf32>
    %eq3A_675 = arith.cmpf oeq, %mul3A_672, %eq3A_674 : vector<128x1xf32>
    %and3A_676 = arith.andi %eq3A_669, %eq3A_675 : vector<128x1xi1>
    %jit3A_677 = arith.constant 1.000000e+00 : f32
    %jit3A_678 = arith.constant 0.000000e+00 : f32
    %broadcast_in_dim3A_679 = vector.broadcast %jit3A_677 : f32 to vector<128x1xf32>
    %broadcast_in_dim3A_680 = vector.broadcast %jit3A_678 : f32 to vector<128x1xf32>
    %select_n3A_681 = arith.select %and3A_676, %broadcast_in_dim3A_679, %broadcast_in_dim3A_680 : vector<128x1xi1>, vector<128x1xf32>
    %and3A_682 = arith.constant 252645135 : i32
    %and3A_683 = vector.broadcast %and3A_682 : i32 to vector<128x512xi32>
    %and3A_684 = arith.andi %add3A_635, %and3A_683 : vector<128x512xi32>
    %shift_right_arithmetic3A_685 = arith.constant 4 : i32
    %shift_right_arithmetic3A_686 = vector.broadcast %shift_right_arithmetic3A_685 : i32 to vector<128x512xi32>
    %shift_right_arithmetic3A_687 = arith.shrsi %add3A_635, %shift_right_arithmetic3A_686 : vector<128x512xi32>
    %and3A_688 = arith.constant 252645135 : i32
    %and3A_689 = vector.broadcast %and3A_688 : i32 to vector<128x512xi32>
    %and3A_690 = arith.andi %shift_right_arithmetic3A_687, %and3A_689 : vector<128x512xi32>
    %slice3A = vector.extract_strided_slice %and3A_684 {offsets = [0, 0], sizes = [128, 128], strides = [1, 1]} : vector<128x512xi32> to vector<128x128xi32>
    %slice3A_691 = vector.extract_strided_slice %and3A_684 {offsets = [0, 128], sizes = [128, 128], strides = [1, 1]} : vector<128x512xi32> to vector<128x128xi32>
    %add3A_692 = arith.addi %slice3A, %slice3A_691 : vector<128x128xi32>
    %slice3A_693 = vector.extract_strided_slice %and3A_684 {offsets = [0, 256], sizes = [128, 128], strides = [1, 1]} : vector<128x512xi32> to vector<128x128xi32>
    %slice3A_694 = vector.extract_strided_slice %and3A_684 {offsets = [0, 384], sizes = [128, 128], strides = [1, 1]} : vector<128x512xi32> to vector<128x128xi32>
    %add3A_695 = arith.addi %slice3A_693, %slice3A_694 : vector<128x128xi32>
    %add3A_696 = arith.addi %add3A_692, %add3A_695 : vector<128x128xi32>
    %slice3A_697 = vector.extract_strided_slice %and3A_690 {offsets = [0, 0], sizes = [128, 128], strides = [1, 1]} : vector<128x512xi32> to vector<128x128xi32>
    %slice3A_698 = vector.extract_strided_slice %and3A_690 {offsets = [0, 128], sizes = [128, 128], strides = [1, 1]} : vector<128x512xi32> to vector<128x128xi32>
    %add3A_699 = arith.addi %slice3A_697, %slice3A_698 : vector<128x128xi32>
    %slice3A_700 = vector.extract_strided_slice %and3A_690 {offsets = [0, 256], sizes = [128, 128], strides = [1, 1]} : vector<128x512xi32> to vector<128x128xi32>
    %slice3A_701 = vector.extract_strided_slice %and3A_690 {offsets = [0, 384], sizes = [128, 128], strides = [1, 1]} : vector<128x512xi32> to vector<128x128xi32>
    %add3A_702 = arith.addi %slice3A_700, %slice3A_701 : vector<128x128xi32>
    %add3A_703 = arith.addi %add3A_699, %add3A_702 : vector<128x128xi32>
    %shift_right_arithmetic3A_704 = arith.constant 0 : i32
    %shift_right_arithmetic3A_705 = vector.broadcast %shift_right_arithmetic3A_704 : i32 to vector<128x128xi32>
    %shift_right_arithmetic3A_706 = arith.shrsi %add3A_696, %shift_right_arithmetic3A_705 : vector<128x128xi32>
    %and3A_707 = arith.constant 255 : i32
    %and3A_708 = vector.broadcast %and3A_707 : i32 to vector<128x128xi32>
    %and3A_709 = arith.andi %shift_right_arithmetic3A_706, %and3A_708 : vector<128x128xi32>
    %convert_element_type3A_710 = arith.sitofp %and3A_709 : vector<128x128xi32> to vector<128x128xf32>
    %reduce_sum3A = arith.constant dense<0.000000e+00> : vector<128xf32>
    %reduce_sum3A_711 = vector.multi_reduction <add>, %convert_element_type3A_710, %reduce_sum3A [1] : vector<128x128xf32> to vector<128xf32>
    %broadcast_in_dim3A_712 = vector.shape_cast %reduce_sum3A_711 : vector<128xf32> to vector<128x1xf32>
    %shift_right_arithmetic3A_713 = arith.constant 0 : i32
    %shift_right_arithmetic3A_714 = vector.broadcast %shift_right_arithmetic3A_713 : i32 to vector<128x128xi32>
    %shift_right_arithmetic3A_715 = arith.shrsi %add3A_703, %shift_right_arithmetic3A_714 : vector<128x128xi32>
    %and3A_716 = arith.constant 255 : i32
    %and3A_717 = vector.broadcast %and3A_716 : i32 to vector<128x128xi32>
    %and3A_718 = arith.andi %shift_right_arithmetic3A_715, %and3A_717 : vector<128x128xi32>
    %convert_element_type3A_719 = arith.sitofp %and3A_718 : vector<128x128xi32> to vector<128x128xf32>
    %reduce_sum3A_720 = arith.constant dense<0.000000e+00> : vector<128xf32>
    %reduce_sum3A_721 = vector.multi_reduction <add>, %convert_element_type3A_719, %reduce_sum3A_720 [1] : vector<128x128xf32> to vector<128xf32>
    %broadcast_in_dim3A_722 = vector.shape_cast %reduce_sum3A_721 : vector<128xf32> to vector<128x1xf32>
    %shift_right_arithmetic3A_723 = arith.constant 8 : i32
    %shift_right_arithmetic3A_724 = vector.broadcast %shift_right_arithmetic3A_723 : i32 to vector<128x128xi32>
    %shift_right_arithmetic3A_725 = arith.shrsi %add3A_696, %shift_right_arithmetic3A_724 : vector<128x128xi32>
    %and3A_726 = arith.constant 255 : i32
    %and3A_727 = vector.broadcast %and3A_726 : i32 to vector<128x128xi32>
    %and3A_728 = arith.andi %shift_right_arithmetic3A_725, %and3A_727 : vector<128x128xi32>
    %convert_element_type3A_729 = arith.sitofp %and3A_728 : vector<128x128xi32> to vector<128x128xf32>
    %reduce_sum3A_730 = arith.constant dense<0.000000e+00> : vector<128xf32>
    %reduce_sum3A_731 = vector.multi_reduction <add>, %convert_element_type3A_729, %reduce_sum3A_730 [1] : vector<128x128xf32> to vector<128xf32>
    %broadcast_in_dim3A_732 = vector.shape_cast %reduce_sum3A_731 : vector<128xf32> to vector<128x1xf32>
    %shift_right_arithmetic3A_733 = arith.constant 8 : i32
    %shift_right_arithmetic3A_734 = vector.broadcast %shift_right_arithmetic3A_733 : i32 to vector<128x128xi32>
    %shift_right_arithmetic3A_735 = arith.shrsi %add3A_703, %shift_right_arithmetic3A_734 : vector<128x128xi32>
    %and3A_736 = arith.constant 255 : i32
    %and3A_737 = vector.broadcast %and3A_736 : i32 to vector<128x128xi32>
    %and3A_738 = arith.andi %shift_right_arithmetic3A_735, %and3A_737 : vector<128x128xi32>
    %convert_element_type3A_739 = arith.sitofp %and3A_738 : vector<128x128xi32> to vector<128x128xf32>
    %reduce_sum3A_740 = arith.constant dense<0.000000e+00> : vector<128xf32>
    %reduce_sum3A_741 = vector.multi_reduction <add>, %convert_element_type3A_739, %reduce_sum3A_740 [1] : vector<128x128xf32> to vector<128xf32>
    %broadcast_in_dim3A_742 = vector.shape_cast %reduce_sum3A_741 : vector<128xf32> to vector<128x1xf32>
    %shift_right_arithmetic3A_743 = arith.constant 16 : i32
    %shift_right_arithmetic3A_744 = vector.broadcast %shift_right_arithmetic3A_743 : i32 to vector<128x128xi32>
    %shift_right_arithmetic3A_745 = arith.shrsi %add3A_696, %shift_right_arithmetic3A_744 : vector<128x128xi32>
    %and3A_746 = arith.constant 255 : i32
    %and3A_747 = vector.broadcast %and3A_746 : i32 to vector<128x128xi32>
    %and3A_748 = arith.andi %shift_right_arithmetic3A_745, %and3A_747 : vector<128x128xi32>
    %convert_element_type3A_749 = arith.sitofp %and3A_748 : vector<128x128xi32> to vector<128x128xf32>
    %reduce_sum3A_750 = arith.constant dense<0.000000e+00> : vector<128xf32>
    %reduce_sum3A_751 = vector.multi_reduction <add>, %convert_element_type3A_749, %reduce_sum3A_750 [1] : vector<128x128xf32> to vector<128xf32>
    %broadcast_in_dim3A_752 = vector.shape_cast %reduce_sum3A_751 : vector<128xf32> to vector<128x1xf32>
    %shift_right_arithmetic3A_753 = arith.constant 16 : i32
    %shift_right_arithmetic3A_754 = vector.broadcast %shift_right_arithmetic3A_753 : i32 to vector<128x128xi32>
    %shift_right_arithmetic3A_755 = arith.shrsi %add3A_703, %shift_right_arithmetic3A_754 : vector<128x128xi32>
    %and3A_756 = arith.constant 255 : i32
    %and3A_757 = vector.broadcast %and3A_756 : i32 to vector<128x128xi32>
    %and3A_758 = arith.andi %shift_right_arithmetic3A_755, %and3A_757 : vector<128x128xi32>
    %convert_element_type3A_759 = arith.sitofp %and3A_758 : vector<128x128xi32> to vector<128x128xf32>
    %reduce_sum3A_760 = arith.constant dense<0.000000e+00> : vector<128xf32>
    %reduce_sum3A_761 = vector.multi_reduction <add>, %convert_element_type3A_759, %reduce_sum3A_760 [1] : vector<128x128xf32> to vector<128xf32>
    %broadcast_in_dim3A_762 = vector.shape_cast %reduce_sum3A_761 : vector<128xf32> to vector<128x1xf32>
    %shift_right_arithmetic3A_763 = arith.constant 24 : i32
    %shift_right_arithmetic3A_764 = vector.broadcast %shift_right_arithmetic3A_763 : i32 to vector<128x128xi32>
    %shift_right_arithmetic3A_765 = arith.shrsi %add3A_696, %shift_right_arithmetic3A_764 : vector<128x128xi32>
    %and3A_766 = arith.constant 255 : i32
    %and3A_767 = vector.broadcast %and3A_766 : i32 to vector<128x128xi32>
    %and3A_768 = arith.andi %shift_right_arithmetic3A_765, %and3A_767 : vector<128x128xi32>
    %convert_element_type3A_769 = arith.sitofp %and3A_768 : vector<128x128xi32> to vector<128x128xf32>
    %reduce_sum3A_770 = arith.constant dense<0.000000e+00> : vector<128xf32>
    %reduce_sum3A_771 = vector.multi_reduction <add>, %convert_element_type3A_769, %reduce_sum3A_770 [1] : vector<128x128xf32> to vector<128xf32>
    %broadcast_in_dim3A_772 = vector.shape_cast %reduce_sum3A_771 : vector<128xf32> to vector<128x1xf32>
    %shift_right_arithmetic3A_773 = arith.constant 24 : i32
    %shift_right_arithmetic3A_774 = vector.broadcast %shift_right_arithmetic3A_773 : i32 to vector<128x128xi32>
    %shift_right_arithmetic3A_775 = arith.shrsi %add3A_703, %shift_right_arithmetic3A_774 : vector<128x128xi32>
    %and3A_776 = arith.constant 255 : i32
    %and3A_777 = vector.broadcast %and3A_776 : i32 to vector<128x128xi32>
    %and3A_778 = arith.andi %shift_right_arithmetic3A_775, %and3A_777 : vector<128x128xi32>
    %convert_element_type3A_779 = arith.sitofp %and3A_778 : vector<128x128xi32> to vector<128x128xf32>
    %reduce_sum3A_780 = arith.constant dense<0.000000e+00> : vector<128xf32>
    %reduce_sum3A_781 = vector.multi_reduction <add>, %convert_element_type3A_779, %reduce_sum3A_780 [1] : vector<128x128xf32> to vector<128xf32>
    %broadcast_in_dim3A_782 = vector.shape_cast %reduce_sum3A_781 : vector<128xf32> to vector<128x1xf32>
    %and3A_783 = arith.constant 252645135 : i32
    %and3A_784 = vector.broadcast %and3A_783 : i32 to vector<128x512xi32>
    %and3A_785 = arith.andi %add3A_642, %and3A_784 : vector<128x512xi32>
    %shift_right_arithmetic3A_786 = arith.constant 4 : i32
    %shift_right_arithmetic3A_787 = vector.broadcast %shift_right_arithmetic3A_786 : i32 to vector<128x512xi32>
    %shift_right_arithmetic3A_788 = arith.shrsi %add3A_642, %shift_right_arithmetic3A_787 : vector<128x512xi32>
    %and3A_789 = arith.constant 252645135 : i32
    %and3A_790 = vector.broadcast %and3A_789 : i32 to vector<128x512xi32>
    %and3A_791 = arith.andi %shift_right_arithmetic3A_788, %and3A_790 : vector<128x512xi32>
    %slice3A_792 = vector.extract_strided_slice %and3A_785 {offsets = [0, 0], sizes = [128, 128], strides = [1, 1]} : vector<128x512xi32> to vector<128x128xi32>
    %slice3A_793 = vector.extract_strided_slice %and3A_785 {offsets = [0, 128], sizes = [128, 128], strides = [1, 1]} : vector<128x512xi32> to vector<128x128xi32>
    %add3A_794 = arith.addi %slice3A_792, %slice3A_793 : vector<128x128xi32>
    %slice3A_795 = vector.extract_strided_slice %and3A_785 {offsets = [0, 256], sizes = [128, 128], strides = [1, 1]} : vector<128x512xi32> to vector<128x128xi32>
    %slice3A_796 = vector.extract_strided_slice %and3A_785 {offsets = [0, 384], sizes = [128, 128], strides = [1, 1]} : vector<128x512xi32> to vector<128x128xi32>
    %add3A_797 = arith.addi %slice3A_795, %slice3A_796 : vector<128x128xi32>
    %add3A_798 = arith.addi %add3A_794, %add3A_797 : vector<128x128xi32>
    %slice3A_799 = vector.extract_strided_slice %and3A_791 {offsets = [0, 0], sizes = [128, 128], strides = [1, 1]} : vector<128x512xi32> to vector<128x128xi32>
    %slice3A_800 = vector.extract_strided_slice %and3A_791 {offsets = [0, 128], sizes = [128, 128], strides = [1, 1]} : vector<128x512xi32> to vector<128x128xi32>
    %add3A_801 = arith.addi %slice3A_799, %slice3A_800 : vector<128x128xi32>
    %slice3A_802 = vector.extract_strided_slice %and3A_791 {offsets = [0, 256], sizes = [128, 128], strides = [1, 1]} : vector<128x512xi32> to vector<128x128xi32>
    %slice3A_803 = vector.extract_strided_slice %and3A_791 {offsets = [0, 384], sizes = [128, 128], strides = [1, 1]} : vector<128x512xi32> to vector<128x128xi32>
    %add3A_804 = arith.addi %slice3A_802, %slice3A_803 : vector<128x128xi32>
    %add3A_805 = arith.addi %add3A_801, %add3A_804 : vector<128x128xi32>
    %shift_right_arithmetic3A_806 = arith.constant 0 : i32
    %shift_right_arithmetic3A_807 = vector.broadcast %shift_right_arithmetic3A_806 : i32 to vector<128x128xi32>
    %shift_right_arithmetic3A_808 = arith.shrsi %add3A_798, %shift_right_arithmetic3A_807 : vector<128x128xi32>
    %and3A_809 = arith.constant 255 : i32
    %and3A_810 = vector.broadcast %and3A_809 : i32 to vector<128x128xi32>
    %and3A_811 = arith.andi %shift_right_arithmetic3A_808, %and3A_810 : vector<128x128xi32>
    %convert_element_type3A_812 = arith.sitofp %and3A_811 : vector<128x128xi32> to vector<128x128xf32>
    %reduce_sum3A_813 = arith.constant dense<0.000000e+00> : vector<128xf32>
    %reduce_sum3A_814 = vector.multi_reduction <add>, %convert_element_type3A_812, %reduce_sum3A_813 [1] : vector<128x128xf32> to vector<128xf32>
    %broadcast_in_dim3A_815 = vector.shape_cast %reduce_sum3A_814 : vector<128xf32> to vector<128x1xf32>
    %shift_right_arithmetic3A_816 = arith.constant 0 : i32
    %shift_right_arithmetic3A_817 = vector.broadcast %shift_right_arithmetic3A_816 : i32 to vector<128x128xi32>
    %shift_right_arithmetic3A_818 = arith.shrsi %add3A_805, %shift_right_arithmetic3A_817 : vector<128x128xi32>
    %and3A_819 = arith.constant 255 : i32
    %and3A_820 = vector.broadcast %and3A_819 : i32 to vector<128x128xi32>
    %and3A_821 = arith.andi %shift_right_arithmetic3A_818, %and3A_820 : vector<128x128xi32>
    %convert_element_type3A_822 = arith.sitofp %and3A_821 : vector<128x128xi32> to vector<128x128xf32>
    %reduce_sum3A_823 = arith.constant dense<0.000000e+00> : vector<128xf32>
    %reduce_sum3A_824 = vector.multi_reduction <add>, %convert_element_type3A_822, %reduce_sum3A_823 [1] : vector<128x128xf32> to vector<128xf32>
    %broadcast_in_dim3A_825 = vector.shape_cast %reduce_sum3A_824 : vector<128xf32> to vector<128x1xf32>
    %shift_right_arithmetic3A_826 = arith.constant 8 : i32
    %shift_right_arithmetic3A_827 = vector.broadcast %shift_right_arithmetic3A_826 : i32 to vector<128x128xi32>
    %shift_right_arithmetic3A_828 = arith.shrsi %add3A_798, %shift_right_arithmetic3A_827 : vector<128x128xi32>
    %and3A_829 = arith.constant 255 : i32
    %and3A_830 = vector.broadcast %and3A_829 : i32 to vector<128x128xi32>
    %and3A_831 = arith.andi %shift_right_arithmetic3A_828, %and3A_830 : vector<128x128xi32>
    %convert_element_type3A_832 = arith.sitofp %and3A_831 : vector<128x128xi32> to vector<128x128xf32>
    %reduce_sum3A_833 = arith.constant dense<0.000000e+00> : vector<128xf32>
    %reduce_sum3A_834 = vector.multi_reduction <add>, %convert_element_type3A_832, %reduce_sum3A_833 [1] : vector<128x128xf32> to vector<128xf32>
    %broadcast_in_dim3A_835 = vector.shape_cast %reduce_sum3A_834 : vector<128xf32> to vector<128x1xf32>
    %shift_right_arithmetic3A_836 = arith.constant 8 : i32
    %shift_right_arithmetic3A_837 = vector.broadcast %shift_right_arithmetic3A_836 : i32 to vector<128x128xi32>
    %shift_right_arithmetic3A_838 = arith.shrsi %add3A_805, %shift_right_arithmetic3A_837 : vector<128x128xi32>
    %and3A_839 = arith.constant 255 : i32
    %and3A_840 = vector.broadcast %and3A_839 : i32 to vector<128x128xi32>
    %and3A_841 = arith.andi %shift_right_arithmetic3A_838, %and3A_840 : vector<128x128xi32>
    %convert_element_type3A_842 = arith.sitofp %and3A_841 : vector<128x128xi32> to vector<128x128xf32>
    %reduce_sum3A_843 = arith.constant dense<0.000000e+00> : vector<128xf32>
    %reduce_sum3A_844 = vector.multi_reduction <add>, %convert_element_type3A_842, %reduce_sum3A_843 [1] : vector<128x128xf32> to vector<128xf32>
    %broadcast_in_dim3A_845 = vector.shape_cast %reduce_sum3A_844 : vector<128xf32> to vector<128x1xf32>
    %shift_right_arithmetic3A_846 = arith.constant 16 : i32
    %shift_right_arithmetic3A_847 = vector.broadcast %shift_right_arithmetic3A_846 : i32 to vector<128x128xi32>
    %shift_right_arithmetic3A_848 = arith.shrsi %add3A_798, %shift_right_arithmetic3A_847 : vector<128x128xi32>
    %and3A_849 = arith.constant 255 : i32
    %and3A_850 = vector.broadcast %and3A_849 : i32 to vector<128x128xi32>
    %and3A_851 = arith.andi %shift_right_arithmetic3A_848, %and3A_850 : vector<128x128xi32>
    %convert_element_type3A_852 = arith.sitofp %and3A_851 : vector<128x128xi32> to vector<128x128xf32>
    %reduce_sum3A_853 = arith.constant dense<0.000000e+00> : vector<128xf32>
    %reduce_sum3A_854 = vector.multi_reduction <add>, %convert_element_type3A_852, %reduce_sum3A_853 [1] : vector<128x128xf32> to vector<128xf32>
    %broadcast_in_dim3A_855 = vector.shape_cast %reduce_sum3A_854 : vector<128xf32> to vector<128x1xf32>
    %shift_right_arithmetic3A_856 = arith.constant 16 : i32
    %shift_right_arithmetic3A_857 = vector.broadcast %shift_right_arithmetic3A_856 : i32 to vector<128x128xi32>
    %shift_right_arithmetic3A_858 = arith.shrsi %add3A_805, %shift_right_arithmetic3A_857 : vector<128x128xi32>
    %and3A_859 = arith.constant 255 : i32
    %and3A_860 = vector.broadcast %and3A_859 : i32 to vector<128x128xi32>
    %and3A_861 = arith.andi %shift_right_arithmetic3A_858, %and3A_860 : vector<128x128xi32>
    %convert_element_type3A_862 = arith.sitofp %and3A_861 : vector<128x128xi32> to vector<128x128xf32>
    %reduce_sum3A_863 = arith.constant dense<0.000000e+00> : vector<128xf32>
    %reduce_sum3A_864 = vector.multi_reduction <add>, %convert_element_type3A_862, %reduce_sum3A_863 [1] : vector<128x128xf32> to vector<128xf32>
    %broadcast_in_dim3A_865 = vector.shape_cast %reduce_sum3A_864 : vector<128xf32> to vector<128x1xf32>
    %shift_right_arithmetic3A_866 = arith.constant 24 : i32
    %shift_right_arithmetic3A_867 = vector.broadcast %shift_right_arithmetic3A_866 : i32 to vector<128x128xi32>
    %shift_right_arithmetic3A_868 = arith.shrsi %add3A_798, %shift_right_arithmetic3A_867 : vector<128x128xi32>
    %and3A_869 = arith.constant 255 : i32
    %and3A_870 = vector.broadcast %and3A_869 : i32 to vector<128x128xi32>
    %and3A_871 = arith.andi %shift_right_arithmetic3A_868, %and3A_870 : vector<128x128xi32>
    %convert_element_type3A_872 = arith.sitofp %and3A_871 : vector<128x128xi32> to vector<128x128xf32>
    %reduce_sum3A_873 = arith.constant dense<0.000000e+00> : vector<128xf32>
    %reduce_sum3A_874 = vector.multi_reduction <add>, %convert_element_type3A_872, %reduce_sum3A_873 [1] : vector<128x128xf32> to vector<128xf32>
    %broadcast_in_dim3A_875 = vector.shape_cast %reduce_sum3A_874 : vector<128xf32> to vector<128x1xf32>
    %shift_right_arithmetic3A_876 = arith.constant 24 : i32
    %shift_right_arithmetic3A_877 = vector.broadcast %shift_right_arithmetic3A_876 : i32 to vector<128x128xi32>
    %shift_right_arithmetic3A_878 = arith.shrsi %add3A_805, %shift_right_arithmetic3A_877 : vector<128x128xi32>
    %and3A_879 = arith.constant 255 : i32
    %and3A_880 = vector.broadcast %and3A_879 : i32 to vector<128x128xi32>
    %and3A_881 = arith.andi %shift_right_arithmetic3A_878, %and3A_880 : vector<128x128xi32>
    %convert_element_type3A_882 = arith.sitofp %and3A_881 : vector<128x128xi32> to vector<128x128xf32>
    %reduce_sum3A_883 = arith.constant dense<0.000000e+00> : vector<128xf32>
    %reduce_sum3A_884 = vector.multi_reduction <add>, %convert_element_type3A_882, %reduce_sum3A_883 [1] : vector<128x128xf32> to vector<128xf32>
    %broadcast_in_dim3A_885 = vector.shape_cast %reduce_sum3A_884 : vector<128xf32> to vector<128x1xf32>
    %and3A_886 = arith.constant 252645135 : i32
    %and3A_887 = vector.broadcast %and3A_886 : i32 to vector<128x512xi32>
    %and3A_888 = arith.andi %add3A_649, %and3A_887 : vector<128x512xi32>
    %shift_right_arithmetic3A_889 = arith.constant 4 : i32
    %shift_right_arithmetic3A_890 = vector.broadcast %shift_right_arithmetic3A_889 : i32 to vector<128x512xi32>
    %shift_right_arithmetic3A_891 = arith.shrsi %add3A_649, %shift_right_arithmetic3A_890 : vector<128x512xi32>
    %and3A_892 = arith.constant 252645135 : i32
    %and3A_893 = vector.broadcast %and3A_892 : i32 to vector<128x512xi32>
    %and3A_894 = arith.andi %shift_right_arithmetic3A_891, %and3A_893 : vector<128x512xi32>
    %slice3A_895 = vector.extract_strided_slice %and3A_888 {offsets = [0, 0], sizes = [128, 128], strides = [1, 1]} : vector<128x512xi32> to vector<128x128xi32>
    %slice3A_896 = vector.extract_strided_slice %and3A_888 {offsets = [0, 128], sizes = [128, 128], strides = [1, 1]} : vector<128x512xi32> to vector<128x128xi32>
    %add3A_897 = arith.addi %slice3A_895, %slice3A_896 : vector<128x128xi32>
    %slice3A_898 = vector.extract_strided_slice %and3A_888 {offsets = [0, 256], sizes = [128, 128], strides = [1, 1]} : vector<128x512xi32> to vector<128x128xi32>
    %slice3A_899 = vector.extract_strided_slice %and3A_888 {offsets = [0, 384], sizes = [128, 128], strides = [1, 1]} : vector<128x512xi32> to vector<128x128xi32>
    %add3A_900 = arith.addi %slice3A_898, %slice3A_899 : vector<128x128xi32>
    %add3A_901 = arith.addi %add3A_897, %add3A_900 : vector<128x128xi32>
    %slice3A_902 = vector.extract_strided_slice %and3A_894 {offsets = [0, 0], sizes = [128, 128], strides = [1, 1]} : vector<128x512xi32> to vector<128x128xi32>
    %slice3A_903 = vector.extract_strided_slice %and3A_894 {offsets = [0, 128], sizes = [128, 128], strides = [1, 1]} : vector<128x512xi32> to vector<128x128xi32>
    %add3A_904 = arith.addi %slice3A_902, %slice3A_903 : vector<128x128xi32>
    %slice3A_905 = vector.extract_strided_slice %and3A_894 {offsets = [0, 256], sizes = [128, 128], strides = [1, 1]} : vector<128x512xi32> to vector<128x128xi32>
    %slice3A_906 = vector.extract_strided_slice %and3A_894 {offsets = [0, 384], sizes = [128, 128], strides = [1, 1]} : vector<128x512xi32> to vector<128x128xi32>
    %add3A_907 = arith.addi %slice3A_905, %slice3A_906 : vector<128x128xi32>
    %add3A_908 = arith.addi %add3A_904, %add3A_907 : vector<128x128xi32>
    %shift_right_arithmetic3A_909 = arith.constant 0 : i32
    %shift_right_arithmetic3A_910 = vector.broadcast %shift_right_arithmetic3A_909 : i32 to vector<128x128xi32>
    %shift_right_arithmetic3A_911 = arith.shrsi %add3A_901, %shift_right_arithmetic3A_910 : vector<128x128xi32>
    %and3A_912 = arith.constant 255 : i32
    %and3A_913 = vector.broadcast %and3A_912 : i32 to vector<128x128xi32>
    %and3A_914 = arith.andi %shift_right_arithmetic3A_911, %and3A_913 : vector<128x128xi32>
    %convert_element_type3A_915 = arith.sitofp %and3A_914 : vector<128x128xi32> to vector<128x128xf32>
    %reduce_sum3A_916 = arith.constant dense<0.000000e+00> : vector<128xf32>
    %reduce_sum3A_917 = vector.multi_reduction <add>, %convert_element_type3A_915, %reduce_sum3A_916 [1] : vector<128x128xf32> to vector<128xf32>
    %broadcast_in_dim3A_918 = vector.shape_cast %reduce_sum3A_917 : vector<128xf32> to vector<128x1xf32>
    %shift_right_arithmetic3A_919 = arith.constant 0 : i32
    %shift_right_arithmetic3A_920 = vector.broadcast %shift_right_arithmetic3A_919 : i32 to vector<128x128xi32>
    %shift_right_arithmetic3A_921 = arith.shrsi %add3A_908, %shift_right_arithmetic3A_920 : vector<128x128xi32>
    %and3A_922 = arith.constant 255 : i32
    %and3A_923 = vector.broadcast %and3A_922 : i32 to vector<128x128xi32>
    %and3A_924 = arith.andi %shift_right_arithmetic3A_921, %and3A_923 : vector<128x128xi32>
    %convert_element_type3A_925 = arith.sitofp %and3A_924 : vector<128x128xi32> to vector<128x128xf32>
    %reduce_sum3A_926 = arith.constant dense<0.000000e+00> : vector<128xf32>
    %reduce_sum3A_927 = vector.multi_reduction <add>, %convert_element_type3A_925, %reduce_sum3A_926 [1] : vector<128x128xf32> to vector<128xf32>
    %broadcast_in_dim3A_928 = vector.shape_cast %reduce_sum3A_927 : vector<128xf32> to vector<128x1xf32>
    %shift_right_arithmetic3A_929 = arith.constant 8 : i32
    %shift_right_arithmetic3A_930 = vector.broadcast %shift_right_arithmetic3A_929 : i32 to vector<128x128xi32>
    %shift_right_arithmetic3A_931 = arith.shrsi %add3A_901, %shift_right_arithmetic3A_930 : vector<128x128xi32>
    %and3A_932 = arith.constant 255 : i32
    %and3A_933 = vector.broadcast %and3A_932 : i32 to vector<128x128xi32>
    %and3A_934 = arith.andi %shift_right_arithmetic3A_931, %and3A_933 : vector<128x128xi32>
    %convert_element_type3A_935 = arith.sitofp %and3A_934 : vector<128x128xi32> to vector<128x128xf32>
    %reduce_sum3A_936 = arith.constant dense<0.000000e+00> : vector<128xf32>
    %reduce_sum3A_937 = vector.multi_reduction <add>, %convert_element_type3A_935, %reduce_sum3A_936 [1] : vector<128x128xf32> to vector<128xf32>
    %broadcast_in_dim3A_938 = vector.shape_cast %reduce_sum3A_937 : vector<128xf32> to vector<128x1xf32>
    %shift_right_arithmetic3A_939 = arith.constant 8 : i32
    %shift_right_arithmetic3A_940 = vector.broadcast %shift_right_arithmetic3A_939 : i32 to vector<128x128xi32>
    %shift_right_arithmetic3A_941 = arith.shrsi %add3A_908, %shift_right_arithmetic3A_940 : vector<128x128xi32>
    %and3A_942 = arith.constant 255 : i32
    %and3A_943 = vector.broadcast %and3A_942 : i32 to vector<128x128xi32>
    %and3A_944 = arith.andi %shift_right_arithmetic3A_941, %and3A_943 : vector<128x128xi32>
    %convert_element_type3A_945 = arith.sitofp %and3A_944 : vector<128x128xi32> to vector<128x128xf32>
    %reduce_sum3A_946 = arith.constant dense<0.000000e+00> : vector<128xf32>
    %reduce_sum3A_947 = vector.multi_reduction <add>, %convert_element_type3A_945, %reduce_sum3A_946 [1] : vector<128x128xf32> to vector<128xf32>
    %broadcast_in_dim3A_948 = vector.shape_cast %reduce_sum3A_947 : vector<128xf32> to vector<128x1xf32>
    %shift_right_arithmetic3A_949 = arith.constant 16 : i32
    %shift_right_arithmetic3A_950 = vector.broadcast %shift_right_arithmetic3A_949 : i32 to vector<128x128xi32>
    %shift_right_arithmetic3A_951 = arith.shrsi %add3A_901, %shift_right_arithmetic3A_950 : vector<128x128xi32>
    %and3A_952 = arith.constant 255 : i32
    %and3A_953 = vector.broadcast %and3A_952 : i32 to vector<128x128xi32>
    %and3A_954 = arith.andi %shift_right_arithmetic3A_951, %and3A_953 : vector<128x128xi32>
    %convert_element_type3A_955 = arith.sitofp %and3A_954 : vector<128x128xi32> to vector<128x128xf32>
    %reduce_sum3A_956 = arith.constant dense<0.000000e+00> : vector<128xf32>
    %reduce_sum3A_957 = vector.multi_reduction <add>, %convert_element_type3A_955, %reduce_sum3A_956 [1] : vector<128x128xf32> to vector<128xf32>
    %broadcast_in_dim3A_958 = vector.shape_cast %reduce_sum3A_957 : vector<128xf32> to vector<128x1xf32>
    %shift_right_arithmetic3A_959 = arith.constant 16 : i32
    %shift_right_arithmetic3A_960 = vector.broadcast %shift_right_arithmetic3A_959 : i32 to vector<128x128xi32>
    %shift_right_arithmetic3A_961 = arith.shrsi %add3A_908, %shift_right_arithmetic3A_960 : vector<128x128xi32>
    %and3A_962 = arith.constant 255 : i32
    %and3A_963 = vector.broadcast %and3A_962 : i32 to vector<128x128xi32>
    %and3A_964 = arith.andi %shift_right_arithmetic3A_961, %and3A_963 : vector<128x128xi32>
    %convert_element_type3A_965 = arith.sitofp %and3A_964 : vector<128x128xi32> to vector<128x128xf32>
    %reduce_sum3A_966 = arith.constant dense<0.000000e+00> : vector<128xf32>
    %reduce_sum3A_967 = vector.multi_reduction <add>, %convert_element_type3A_965, %reduce_sum3A_966 [1] : vector<128x128xf32> to vector<128xf32>
    %broadcast_in_dim3A_968 = vector.shape_cast %reduce_sum3A_967 : vector<128xf32> to vector<128x1xf32>
    %sub3A_969 = arith.subf %broadcast_in_dim3A_968, %select_n3A_681 : vector<128x1xf32>
    %shift_right_arithmetic3A_970 = arith.constant 24 : i32
    %shift_right_arithmetic3A_971 = vector.broadcast %shift_right_arithmetic3A_970 : i32 to vector<128x128xi32>
    %shift_right_arithmetic3A_972 = arith.shrsi %add3A_901, %shift_right_arithmetic3A_971 : vector<128x128xi32>
    %and3A_973 = arith.constant 255 : i32
    %and3A_974 = vector.broadcast %and3A_973 : i32 to vector<128x128xi32>
    %and3A_975 = arith.andi %shift_right_arithmetic3A_972, %and3A_974 : vector<128x128xi32>
    %convert_element_type3A_976 = arith.sitofp %and3A_975 : vector<128x128xi32> to vector<128x128xf32>
    %reduce_sum3A_977 = arith.constant dense<0.000000e+00> : vector<128xf32>
    %reduce_sum3A_978 = vector.multi_reduction <add>, %convert_element_type3A_976, %reduce_sum3A_977 [1] : vector<128x128xf32> to vector<128xf32>
    %broadcast_in_dim3A_979 = vector.shape_cast %reduce_sum3A_978 : vector<128xf32> to vector<128x1xf32>
    %shift_right_arithmetic3A_980 = arith.constant 24 : i32
    %shift_right_arithmetic3A_981 = vector.broadcast %shift_right_arithmetic3A_980 : i32 to vector<128x128xi32>
    %shift_right_arithmetic3A_982 = arith.shrsi %add3A_908, %shift_right_arithmetic3A_981 : vector<128x128xi32>
    %and3A_983 = arith.constant 255 : i32
    %and3A_984 = vector.broadcast %and3A_983 : i32 to vector<128x128xi32>
    %and3A_985 = arith.andi %shift_right_arithmetic3A_982, %and3A_984 : vector<128x128xi32>
    %convert_element_type3A_986 = arith.sitofp %and3A_985 : vector<128x128xi32> to vector<128x128xf32>
    %reduce_sum3A_987 = arith.constant dense<0.000000e+00> : vector<128xf32>
    %reduce_sum3A_988 = vector.multi_reduction <add>, %convert_element_type3A_986, %reduce_sum3A_987 [1] : vector<128x128xf32> to vector<128xf32>
    %broadcast_in_dim3A_989 = vector.shape_cast %reduce_sum3A_988 : vector<128xf32> to vector<128x1xf32>
    %and3A_990 = arith.constant 252645135 : i32
    %and3A_991 = vector.broadcast %and3A_990 : i32 to vector<128x512xi32>
    %and3A_992 = arith.andi %add3A_656, %and3A_991 : vector<128x512xi32>
    %shift_right_arithmetic3A_993 = arith.constant 4 : i32
    %shift_right_arithmetic3A_994 = vector.broadcast %shift_right_arithmetic3A_993 : i32 to vector<128x512xi32>
    %shift_right_arithmetic3A_995 = arith.shrsi %add3A_656, %shift_right_arithmetic3A_994 : vector<128x512xi32>
    %and3A_996 = arith.constant 252645135 : i32
    %and3A_997 = vector.broadcast %and3A_996 : i32 to vector<128x512xi32>
    %and3A_998 = arith.andi %shift_right_arithmetic3A_995, %and3A_997 : vector<128x512xi32>
    %slice3A_999 = vector.extract_strided_slice %and3A_992 {offsets = [0, 0], sizes = [128, 128], strides = [1, 1]} : vector<128x512xi32> to vector<128x128xi32>
    %slice3A_1000 = vector.extract_strided_slice %and3A_992 {offsets = [0, 128], sizes = [128, 128], strides = [1, 1]} : vector<128x512xi32> to vector<128x128xi32>
    %add3A_1001 = arith.addi %slice3A_999, %slice3A_1000 : vector<128x128xi32>
    %slice3A_1002 = vector.extract_strided_slice %and3A_992 {offsets = [0, 256], sizes = [128, 128], strides = [1, 1]} : vector<128x512xi32> to vector<128x128xi32>
    %slice3A_1003 = vector.extract_strided_slice %and3A_992 {offsets = [0, 384], sizes = [128, 128], strides = [1, 1]} : vector<128x512xi32> to vector<128x128xi32>
    %add3A_1004 = arith.addi %slice3A_1002, %slice3A_1003 : vector<128x128xi32>
    %add3A_1005 = arith.addi %add3A_1001, %add3A_1004 : vector<128x128xi32>
    %slice3A_1006 = vector.extract_strided_slice %and3A_998 {offsets = [0, 0], sizes = [128, 128], strides = [1, 1]} : vector<128x512xi32> to vector<128x128xi32>
    %slice3A_1007 = vector.extract_strided_slice %and3A_998 {offsets = [0, 128], sizes = [128, 128], strides = [1, 1]} : vector<128x512xi32> to vector<128x128xi32>
    %add3A_1008 = arith.addi %slice3A_1006, %slice3A_1007 : vector<128x128xi32>
    %slice3A_1009 = vector.extract_strided_slice %and3A_998 {offsets = [0, 256], sizes = [128, 128], strides = [1, 1]} : vector<128x512xi32> to vector<128x128xi32>
    %slice3A_1010 = vector.extract_strided_slice %and3A_998 {offsets = [0, 384], sizes = [128, 128], strides = [1, 1]} : vector<128x512xi32> to vector<128x128xi32>
    %add3A_1011 = arith.addi %slice3A_1009, %slice3A_1010 : vector<128x128xi32>
    %add3A_1012 = arith.addi %add3A_1008, %add3A_1011 : vector<128x128xi32>
    %shift_right_arithmetic3A_1013 = arith.constant 0 : i32
    %shift_right_arithmetic3A_1014 = vector.broadcast %shift_right_arithmetic3A_1013 : i32 to vector<128x128xi32>
    %shift_right_arithmetic3A_1015 = arith.shrsi %add3A_1005, %shift_right_arithmetic3A_1014 : vector<128x128xi32>
    %and3A_1016 = arith.constant 255 : i32
    %and3A_1017 = vector.broadcast %and3A_1016 : i32 to vector<128x128xi32>
    %and3A_1018 = arith.andi %shift_right_arithmetic3A_1015, %and3A_1017 : vector<128x128xi32>
    %convert_element_type3A_1019 = arith.sitofp %and3A_1018 : vector<128x128xi32> to vector<128x128xf32>
    %reduce_sum3A_1020 = arith.constant dense<0.000000e+00> : vector<128xf32>
    %reduce_sum3A_1021 = vector.multi_reduction <add>, %convert_element_type3A_1019, %reduce_sum3A_1020 [1] : vector<128x128xf32> to vector<128xf32>
    %broadcast_in_dim3A_1022 = vector.shape_cast %reduce_sum3A_1021 : vector<128xf32> to vector<128x1xf32>
    %shift_right_arithmetic3A_1023 = arith.constant 0 : i32
    %shift_right_arithmetic3A_1024 = vector.broadcast %shift_right_arithmetic3A_1023 : i32 to vector<128x128xi32>
    %shift_right_arithmetic3A_1025 = arith.shrsi %add3A_1012, %shift_right_arithmetic3A_1024 : vector<128x128xi32>
    %and3A_1026 = arith.constant 255 : i32
    %and3A_1027 = vector.broadcast %and3A_1026 : i32 to vector<128x128xi32>
    %and3A_1028 = arith.andi %shift_right_arithmetic3A_1025, %and3A_1027 : vector<128x128xi32>
    %convert_element_type3A_1029 = arith.sitofp %and3A_1028 : vector<128x128xi32> to vector<128x128xf32>
    %reduce_sum3A_1030 = arith.constant dense<0.000000e+00> : vector<128xf32>
    %reduce_sum3A_1031 = vector.multi_reduction <add>, %convert_element_type3A_1029, %reduce_sum3A_1030 [1] : vector<128x128xf32> to vector<128xf32>
    %broadcast_in_dim3A_1032 = vector.shape_cast %reduce_sum3A_1031 : vector<128xf32> to vector<128x1xf32>
    %shift_right_arithmetic3A_1033 = arith.constant 8 : i32
    %shift_right_arithmetic3A_1034 = vector.broadcast %shift_right_arithmetic3A_1033 : i32 to vector<128x128xi32>
    %shift_right_arithmetic3A_1035 = arith.shrsi %add3A_1005, %shift_right_arithmetic3A_1034 : vector<128x128xi32>
    %and3A_1036 = arith.constant 255 : i32
    %and3A_1037 = vector.broadcast %and3A_1036 : i32 to vector<128x128xi32>
    %and3A_1038 = arith.andi %shift_right_arithmetic3A_1035, %and3A_1037 : vector<128x128xi32>
    %convert_element_type3A_1039 = arith.sitofp %and3A_1038 : vector<128x128xi32> to vector<128x128xf32>
    %reduce_sum3A_1040 = arith.constant dense<0.000000e+00> : vector<128xf32>
    %reduce_sum3A_1041 = vector.multi_reduction <add>, %convert_element_type3A_1039, %reduce_sum3A_1040 [1] : vector<128x128xf32> to vector<128xf32>
    %broadcast_in_dim3A_1042 = vector.shape_cast %reduce_sum3A_1041 : vector<128xf32> to vector<128x1xf32>
    %shift_right_arithmetic3A_1043 = arith.constant 8 : i32
    %shift_right_arithmetic3A_1044 = vector.broadcast %shift_right_arithmetic3A_1043 : i32 to vector<128x128xi32>
    %shift_right_arithmetic3A_1045 = arith.shrsi %add3A_1012, %shift_right_arithmetic3A_1044 : vector<128x128xi32>
    %and3A_1046 = arith.constant 255 : i32
    %and3A_1047 = vector.broadcast %and3A_1046 : i32 to vector<128x128xi32>
    %and3A_1048 = arith.andi %shift_right_arithmetic3A_1045, %and3A_1047 : vector<128x128xi32>
    %convert_element_type3A_1049 = arith.sitofp %and3A_1048 : vector<128x128xi32> to vector<128x128xf32>
    %reduce_sum3A_1050 = arith.constant dense<0.000000e+00> : vector<128xf32>
    %reduce_sum3A_1051 = vector.multi_reduction <add>, %convert_element_type3A_1049, %reduce_sum3A_1050 [1] : vector<128x128xf32> to vector<128xf32>
    %broadcast_in_dim3A_1052 = vector.shape_cast %reduce_sum3A_1051 : vector<128xf32> to vector<128x1xf32>
    %shift_right_arithmetic3A_1053 = arith.constant 16 : i32
    %shift_right_arithmetic3A_1054 = vector.broadcast %shift_right_arithmetic3A_1053 : i32 to vector<128x128xi32>
    %shift_right_arithmetic3A_1055 = arith.shrsi %add3A_1005, %shift_right_arithmetic3A_1054 : vector<128x128xi32>
    %and3A_1056 = arith.constant 255 : i32
    %and3A_1057 = vector.broadcast %and3A_1056 : i32 to vector<128x128xi32>
    %and3A_1058 = arith.andi %shift_right_arithmetic3A_1055, %and3A_1057 : vector<128x128xi32>
    %convert_element_type3A_1059 = arith.sitofp %and3A_1058 : vector<128x128xi32> to vector<128x128xf32>
    %reduce_sum3A_1060 = arith.constant dense<0.000000e+00> : vector<128xf32>
    %reduce_sum3A_1061 = vector.multi_reduction <add>, %convert_element_type3A_1059, %reduce_sum3A_1060 [1] : vector<128x128xf32> to vector<128xf32>
    %broadcast_in_dim3A_1062 = vector.shape_cast %reduce_sum3A_1061 : vector<128xf32> to vector<128x1xf32>
    %shift_right_arithmetic3A_1063 = arith.constant 16 : i32
    %shift_right_arithmetic3A_1064 = vector.broadcast %shift_right_arithmetic3A_1063 : i32 to vector<128x128xi32>
    %shift_right_arithmetic3A_1065 = arith.shrsi %add3A_1012, %shift_right_arithmetic3A_1064 : vector<128x128xi32>
    %and3A_1066 = arith.constant 255 : i32
    %and3A_1067 = vector.broadcast %and3A_1066 : i32 to vector<128x128xi32>
    %and3A_1068 = arith.andi %shift_right_arithmetic3A_1065, %and3A_1067 : vector<128x128xi32>
    %convert_element_type3A_1069 = arith.sitofp %and3A_1068 : vector<128x128xi32> to vector<128x128xf32>
    %reduce_sum3A_1070 = arith.constant dense<0.000000e+00> : vector<128xf32>
    %reduce_sum3A_1071 = vector.multi_reduction <add>, %convert_element_type3A_1069, %reduce_sum3A_1070 [1] : vector<128x128xf32> to vector<128xf32>
    %broadcast_in_dim3A_1072 = vector.shape_cast %reduce_sum3A_1071 : vector<128xf32> to vector<128x1xf32>
    %shift_right_arithmetic3A_1073 = arith.constant 24 : i32
    %shift_right_arithmetic3A_1074 = vector.broadcast %shift_right_arithmetic3A_1073 : i32 to vector<128x128xi32>
    %shift_right_arithmetic3A_1075 = arith.shrsi %add3A_1005, %shift_right_arithmetic3A_1074 : vector<128x128xi32>
    %and3A_1076 = arith.constant 255 : i32
    %and3A_1077 = vector.broadcast %and3A_1076 : i32 to vector<128x128xi32>
    %and3A_1078 = arith.andi %shift_right_arithmetic3A_1075, %and3A_1077 : vector<128x128xi32>
    %convert_element_type3A_1079 = arith.sitofp %and3A_1078 : vector<128x128xi32> to vector<128x128xf32>
    %reduce_sum3A_1080 = arith.constant dense<0.000000e+00> : vector<128xf32>
    %reduce_sum3A_1081 = vector.multi_reduction <add>, %convert_element_type3A_1079, %reduce_sum3A_1080 [1] : vector<128x128xf32> to vector<128xf32>
    %broadcast_in_dim3A_1082 = vector.shape_cast %reduce_sum3A_1081 : vector<128xf32> to vector<128x1xf32>
    %shift_right_arithmetic3A_1083 = arith.constant 24 : i32
    %shift_right_arithmetic3A_1084 = vector.broadcast %shift_right_arithmetic3A_1083 : i32 to vector<128x128xi32>
    %shift_right_arithmetic3A_1085 = arith.shrsi %add3A_1012, %shift_right_arithmetic3A_1084 : vector<128x128xi32>
    %and3A_1086 = arith.constant 255 : i32
    %and3A_1087 = vector.broadcast %and3A_1086 : i32 to vector<128x128xi32>
    %and3A_1088 = arith.andi %shift_right_arithmetic3A_1085, %and3A_1087 : vector<128x128xi32>
    %convert_element_type3A_1089 = arith.sitofp %and3A_1088 : vector<128x128xi32> to vector<128x128xf32>
    %reduce_sum3A_1090 = arith.constant dense<0.000000e+00> : vector<128xf32>
    %reduce_sum3A_1091 = vector.multi_reduction <add>, %convert_element_type3A_1089, %reduce_sum3A_1090 [1] : vector<128x128xf32> to vector<128xf32>
    %broadcast_in_dim3A_1092 = vector.shape_cast %reduce_sum3A_1091 : vector<128xf32> to vector<128x1xf32>
    %and3A_1093 = arith.constant 252645135 : i32
    %and3A_1094 = vector.broadcast %and3A_1093 : i32 to vector<128x512xi32>
    %and3A_1095 = arith.andi %add3A_663, %and3A_1094 : vector<128x512xi32>
    %shift_right_arithmetic3A_1096 = arith.constant 4 : i32
    %shift_right_arithmetic3A_1097 = vector.broadcast %shift_right_arithmetic3A_1096 : i32 to vector<128x512xi32>
    %shift_right_arithmetic3A_1098 = arith.shrsi %add3A_663, %shift_right_arithmetic3A_1097 : vector<128x512xi32>
    %and3A_1099 = arith.constant 252645135 : i32
    %and3A_1100 = vector.broadcast %and3A_1099 : i32 to vector<128x512xi32>
    %and3A_1101 = arith.andi %shift_right_arithmetic3A_1098, %and3A_1100 : vector<128x512xi32>
    %slice3A_1102 = vector.extract_strided_slice %and3A_1095 {offsets = [0, 0], sizes = [128, 128], strides = [1, 1]} : vector<128x512xi32> to vector<128x128xi32>
    %slice3A_1103 = vector.extract_strided_slice %and3A_1095 {offsets = [0, 128], sizes = [128, 128], strides = [1, 1]} : vector<128x512xi32> to vector<128x128xi32>
    %add3A_1104 = arith.addi %slice3A_1102, %slice3A_1103 : vector<128x128xi32>
    %slice3A_1105 = vector.extract_strided_slice %and3A_1095 {offsets = [0, 256], sizes = [128, 128], strides = [1, 1]} : vector<128x512xi32> to vector<128x128xi32>
    %slice3A_1106 = vector.extract_strided_slice %and3A_1095 {offsets = [0, 384], sizes = [128, 128], strides = [1, 1]} : vector<128x512xi32> to vector<128x128xi32>
    %add3A_1107 = arith.addi %slice3A_1105, %slice3A_1106 : vector<128x128xi32>
    %add3A_1108 = arith.addi %add3A_1104, %add3A_1107 : vector<128x128xi32>
    %slice3A_1109 = vector.extract_strided_slice %and3A_1101 {offsets = [0, 0], sizes = [128, 128], strides = [1, 1]} : vector<128x512xi32> to vector<128x128xi32>
    %slice3A_1110 = vector.extract_strided_slice %and3A_1101 {offsets = [0, 128], sizes = [128, 128], strides = [1, 1]} : vector<128x512xi32> to vector<128x128xi32>
    %add3A_1111 = arith.addi %slice3A_1109, %slice3A_1110 : vector<128x128xi32>
    %slice3A_1112 = vector.extract_strided_slice %and3A_1101 {offsets = [0, 256], sizes = [128, 128], strides = [1, 1]} : vector<128x512xi32> to vector<128x128xi32>
    %slice3A_1113 = vector.extract_strided_slice %and3A_1101 {offsets = [0, 384], sizes = [128, 128], strides = [1, 1]} : vector<128x512xi32> to vector<128x128xi32>
    %add3A_1114 = arith.addi %slice3A_1112, %slice3A_1113 : vector<128x128xi32>
    %add3A_1115 = arith.addi %add3A_1111, %add3A_1114 : vector<128x128xi32>
    %shift_right_arithmetic3A_1116 = arith.constant 0 : i32
    %shift_right_arithmetic3A_1117 = vector.broadcast %shift_right_arithmetic3A_1116 : i32 to vector<128x128xi32>
    %shift_right_arithmetic3A_1118 = arith.shrsi %add3A_1108, %shift_right_arithmetic3A_1117 : vector<128x128xi32>
    %and3A_1119 = arith.constant 255 : i32
    %and3A_1120 = vector.broadcast %and3A_1119 : i32 to vector<128x128xi32>
    %and3A_1121 = arith.andi %shift_right_arithmetic3A_1118, %and3A_1120 : vector<128x128xi32>
    %convert_element_type3A_1122 = arith.sitofp %and3A_1121 : vector<128x128xi32> to vector<128x128xf32>
    %reduce_sum3A_1123 = arith.constant dense<0.000000e+00> : vector<128xf32>
    %reduce_sum3A_1124 = vector.multi_reduction <add>, %convert_element_type3A_1122, %reduce_sum3A_1123 [1] : vector<128x128xf32> to vector<128xf32>
    %broadcast_in_dim3A_1125 = vector.shape_cast %reduce_sum3A_1124 : vector<128xf32> to vector<128x1xf32>
    %shift_right_arithmetic3A_1126 = arith.constant 0 : i32
    %shift_right_arithmetic3A_1127 = vector.broadcast %shift_right_arithmetic3A_1126 : i32 to vector<128x128xi32>
    %shift_right_arithmetic3A_1128 = arith.shrsi %add3A_1115, %shift_right_arithmetic3A_1127 : vector<128x128xi32>
    %and3A_1129 = arith.constant 255 : i32
    %and3A_1130 = vector.broadcast %and3A_1129 : i32 to vector<128x128xi32>
    %and3A_1131 = arith.andi %shift_right_arithmetic3A_1128, %and3A_1130 : vector<128x128xi32>
    %convert_element_type3A_1132 = arith.sitofp %and3A_1131 : vector<128x128xi32> to vector<128x128xf32>
    %reduce_sum3A_1133 = arith.constant dense<0.000000e+00> : vector<128xf32>
    %reduce_sum3A_1134 = vector.multi_reduction <add>, %convert_element_type3A_1132, %reduce_sum3A_1133 [1] : vector<128x128xf32> to vector<128xf32>
    %broadcast_in_dim3A_1135 = vector.shape_cast %reduce_sum3A_1134 : vector<128xf32> to vector<128x1xf32>
    %shift_right_arithmetic3A_1136 = arith.constant 8 : i32
    %shift_right_arithmetic3A_1137 = vector.broadcast %shift_right_arithmetic3A_1136 : i32 to vector<128x128xi32>
    %shift_right_arithmetic3A_1138 = arith.shrsi %add3A_1108, %shift_right_arithmetic3A_1137 : vector<128x128xi32>
    %and3A_1139 = arith.constant 255 : i32
    %and3A_1140 = vector.broadcast %and3A_1139 : i32 to vector<128x128xi32>
    %and3A_1141 = arith.andi %shift_right_arithmetic3A_1138, %and3A_1140 : vector<128x128xi32>
    %convert_element_type3A_1142 = arith.sitofp %and3A_1141 : vector<128x128xi32> to vector<128x128xf32>
    %reduce_sum3A_1143 = arith.constant dense<0.000000e+00> : vector<128xf32>
    %reduce_sum3A_1144 = vector.multi_reduction <add>, %convert_element_type3A_1142, %reduce_sum3A_1143 [1] : vector<128x128xf32> to vector<128xf32>
    %broadcast_in_dim3A_1145 = vector.shape_cast %reduce_sum3A_1144 : vector<128xf32> to vector<128x1xf32>
    %shift_right_arithmetic3A_1146 = arith.constant 8 : i32
    %shift_right_arithmetic3A_1147 = vector.broadcast %shift_right_arithmetic3A_1146 : i32 to vector<128x128xi32>
    %shift_right_arithmetic3A_1148 = arith.shrsi %add3A_1115, %shift_right_arithmetic3A_1147 : vector<128x128xi32>
    %and3A_1149 = arith.constant 255 : i32
    %and3A_1150 = vector.broadcast %and3A_1149 : i32 to vector<128x128xi32>
    %and3A_1151 = arith.andi %shift_right_arithmetic3A_1148, %and3A_1150 : vector<128x128xi32>
    %convert_element_type3A_1152 = arith.sitofp %and3A_1151 : vector<128x128xi32> to vector<128x128xf32>
    %reduce_sum3A_1153 = arith.constant dense<0.000000e+00> : vector<128xf32>
    %reduce_sum3A_1154 = vector.multi_reduction <add>, %convert_element_type3A_1152, %reduce_sum3A_1153 [1] : vector<128x128xf32> to vector<128xf32>
    %broadcast_in_dim3A_1155 = vector.shape_cast %reduce_sum3A_1154 : vector<128xf32> to vector<128x1xf32>
    %broadcast_in_dim3A_1156 = arith.constant 0.000000e+00 : f32
    %broadcast_in_dim3A_1157 = vector.broadcast %broadcast_in_dim3A_1156 : f32 to vector<128x1xf32>
    %concatenate3A = tpu.concatenate %broadcast_in_dim3A_712, %broadcast_in_dim3A_722, %broadcast_in_dim3A_732, %broadcast_in_dim3A_742, %broadcast_in_dim3A_752, %broadcast_in_dim3A_762, %broadcast_in_dim3A_772, %broadcast_in_dim3A_782, %broadcast_in_dim3A_815, %broadcast_in_dim3A_825, %broadcast_in_dim3A_835, %broadcast_in_dim3A_845, %broadcast_in_dim3A_855, %broadcast_in_dim3A_865, %broadcast_in_dim3A_875, %broadcast_in_dim3A_885, %broadcast_in_dim3A_918, %broadcast_in_dim3A_928, %broadcast_in_dim3A_938, %broadcast_in_dim3A_948, %broadcast_in_dim3A_958, %sub3A_969, %broadcast_in_dim3A_979, %broadcast_in_dim3A_989, %broadcast_in_dim3A_1022, %broadcast_in_dim3A_1032, %broadcast_in_dim3A_1042, %broadcast_in_dim3A_1052, %broadcast_in_dim3A_1062, %broadcast_in_dim3A_1072, %broadcast_in_dim3A_1082, %broadcast_in_dim3A_1092, %broadcast_in_dim3A_1125, %broadcast_in_dim3A_1135, %broadcast_in_dim3A_1145, %broadcast_in_dim3A_1155, %broadcast_in_dim3A_1157, %broadcast_in_dim3A_1157, %broadcast_in_dim3A_1157, %broadcast_in_dim3A_1157 in 1 : vector<128x1xf32>, vector<128x1xf32>, vector<128x1xf32>, vector<128x1xf32>, vector<128x1xf32>, vector<128x1xf32>, vector<128x1xf32>, vector<128x1xf32>, vector<128x1xf32>, vector<128x1xf32>, vector<128x1xf32>, vector<128x1xf32>, vector<128x1xf32>, vector<128x1xf32>, vector<128x1xf32>, vector<128x1xf32>, vector<128x1xf32>, vector<128x1xf32>, vector<128x1xf32>, vector<128x1xf32>, vector<128x1xf32>, vector<128x1xf32>, vector<128x1xf32>, vector<128x1xf32>, vector<128x1xf32>, vector<128x1xf32>, vector<128x1xf32>, vector<128x1xf32>, vector<128x1xf32>, vector<128x1xf32>, vector<128x1xf32>, vector<128x1xf32>, vector<128x1xf32>, vector<128x1xf32>, vector<128x1xf32>, vector<128x1xf32>, vector<128x1xf32>, vector<128x1xf32>, vector<128x1xf32>, vector<128x1xf32> -> vector<128x40xf32>
    %get3A_1158 = arith.constant 0 : index
    %get3A_1159 = arith.constant 0 : index
    %get3A_1160 = vector.load %arg3[%get3A_1158, %get3A_1159] : memref<40x128xf32, #tpu.memory_space<vmem>>, vector<40x128xf32>
    %dot_general3A = arith.constant dense<0.000000e+00> : vector<128x128xf32>
    %dot_general3A_1161 = tpu.matmul %concatenate3A, %get3A_1160, %dot_general3A {dimension_numbers = #tpu.dot_dimension_numbers<[1], [0], [0], [1], [0, 0, 1, 1], [], []>, transpose_lhs_hint = false} : vector<128x40xf32>, vector<40x128xf32>, vector<128x128xf32> -> vector<128x128xf32>
    %get3A_1162 = arith.constant 0 : index
    %get3A_1163 = arith.constant 0 : index
    %get3A_1164 = vector.load %arg4[%get3A_1162, %get3A_1163] : memref<1x128xf32, #tpu.memory_space<vmem>>, vector<1x128xf32>
    %add3A_1165 = vector.broadcast %get3A_1164 : vector<1x128xf32> to vector<128x128xf32>
    %add3A_1166 = arith.addf %dot_general3A_1161, %add3A_1165 : vector<128x128xf32>
    %swap3A = arith.constant 0 : index
    %swap3A_1167 = arith.constant 0 : index
    %swap3A_1168 = vector.load %arg5[%swap3A, %swap3A_1167] : memref<128x128xf32, #tpu.memory_space<vmem>>, vector<128x128xf32>
    tpu.vector_store %arg5[%swap3A, %swap3A_1167], %add3A_1166 {strides = array<i32>} : memref<128x128xf32, #tpu.memory_space<vmem>>, vector<128x128xf32>,
    return
  }
  func.func @transform_0(%arg0: i32) -> (i32, i32) {
    %c0_i32 = arith.constant 0 : i32
    %c0_i32_0 = arith.constant 0 : i32
    return %arg0, %c0_i32 : i32, i32
  }
  func.func @transform_1(%arg0: i32) -> (i32, i32) {
    %c0_i32 = arith.constant 0 : i32
    %c0_i32_0 = arith.constant 0 : i32
    %c0_i32_1 = arith.constant 0 : i32
    return %c0_i32, %c0_i32_0 : i32, i32
  }
  func.func @transform_2(%arg0: i32) -> (i32, i32) {
    %c0_i32 = arith.constant 0 : i32
    %c0_i32_0 = arith.constant 0 : i32
    %c0_i32_1 = arith.constant 0 : i32
    return %c0_i32, %c0_i32_0 : i32, i32
  }
  func.func @transform_3(%arg0: i32) -> (i32, i32) {
    %c0_i32 = arith.constant 0 : i32
    %c0_i32_0 = arith.constant 0 : i32
    %c0_i32_1 = arith.constant 0 : i32
    return %c0_i32, %c0_i32_0 : i32, i32
  }
  func.func @transform_4(%arg0: i32) -> (i32, i32) {
    %c0_i32 = arith.constant 0 : i32
    %c0_i32_0 = arith.constant 0 : i32
    return %arg0, %c0_i32 : i32, i32
  }
}

</mosaic_0001>

<sc_bundles>
// kernel: kernel.5.cloned.1.call-start
scs
__scs_entry_jumppad:
0x0: {  	(pc) =	sbr.rel $0x88, $3  }
0x1: {  	(tag) =	ssettag $0x0;
	lr =	simm.s32 $0x1  }
0x2: {  	[smem:$0x3F9E] =	sst lr;
	_ =	strace $0xD0000000  }
0x3: {  	_ = 	snop  }
0x4: {  	_ = 	snop  }
0x5: {  	_ = 	snop  }
0x6: {  	_ = 	snop  }
0x7: {  	_ = 	snop  }
__scs_overlays_trampoline_lowered:
0x8: {  	[smem:$0x3FAD] =	sst s0  }
0x9: {  	[smem:$0x3FAE] =	sst s1  }
0xa: {  	[smem:$0x3FAF] =	sst s2  }
0xb: {  	[smem:$0x3FB0] =	sst s3  }
0xc: {  	[smem:$0x3FB1] =	sst s4  }
0xd: {  	[smem:$0x3FB2] =	sst s5  }
0xe: {  	[smem:$0x3FB3] =	sst s6  }
0xf: {  	[smem:$0x3FB4] =	sst s7  }
0x10: {  	[smem:$0x3FB5] =	sst s8  }
0x11: {  	[smem:$0x3FB6] =	sst s9;
	s0 =	simm.s32 @!p0 $0x0  }
0x12: {  	s1 =	sld [smem:$0x3F9C];
	s0 =	simm.s32 @p0 $0x1  }
0x13: {  	[smem:$0x3FB7] =	sst s0;
	s0 =	simm.s32 @!p1 $0x0  }
0x14: {  	s2 =	sld [smem:$0x3F9B];
	s0 =	simm.s32 @p1 $0x1  }
0x15: {  	[smem:$0x3FB8] =	sst s0;
	s0 =	simm.s32 @!p2 $0x0  }
0x16: {  	s3 =	sld [smem:$0x3FDB];
	s0 =	simm.s32 @p2 $0x1  }
0x17: {  	s4 =	simm.s32 $0x1BF5;
	[smem:$0x3FBA] =	sst s0  }
0x18: {  	s0 =	sld [smem:$0x3F9D];
	_ =	swait.ge [sflag:s4], $0x0  }
0x19: {  	s7 =	sld [smem:$0x3F9E]  }
0x1a: {  	s8 =	sadd.s32 $0xFFFFE003, lr  }
0x1b: {  	s9 =	sadd.s32 $0xFFFFFEF7, lr;
	s5 =	simm.s32 $0xFFFFFFFF;
	p2 =	slt.u32 s8, $0xFFFFF086  }
0x1c: {  	p1 =	slt.u32 s9, $0xF7A;
	s5 =	simm.s32 @!p2 $0x0  }
0x1d: {  	s5 =	simm.s32 @p1 $0x1;
	p0 =	seq.s32 s7, s2  }
0x1e: {  	s7 =	smul.u32 @!p0 $0xF7A, s2;
	p2 =	seq.s32 @!p0 s5, $0x0  }
0x1f: {  	s9 =	smul.u32 $0xF7A, s1;
	s8 =	simm.s32 @!p0 $0x1BF5;
	p2 =	por !p2, p0  }
0x20: {  	[sflag:s8] =	ssyncset.s32 @!p0 $0xFFFFF086;
	s6 =	sadd.s32 @!p0 s3, s7;
	s7 =	simm.s32 @!p0 $0x108  }
0x21: {  	s3 =	sadd.s32 s3, s9;
	s6 =	sadd.s32 @!p0 $0x88, s6;
	s7 =	simm.s32 @p2 $0x1082  }
0x22: {  	[simem:s7], [sflag:s8] =	dma.local @!p0 [hbm:s6], $0xF7A  }
0x23: {  	s9 =	sor.u32 $0xD0000000, s2;
	s6 =	simm.s32 $0x108;
	_ =	swait.ge @!p0 [sflag:s8], $0x0  }
0x24: {  	s3 =	sadd.s32 $0x88, s3;
	s6 =	simm.s32 @!p1 $0x1082;
	[sflag:s4] =	ssyncset.s32 $0xFFFFF086  }
0x25: {  	[simem:s6], [sflag:s4] =	dma.local [hbm:s3], $0xF7A  }
0x26: {  	[smem:$0x3F9E] =	sst s1;
	(tag) =	ssettag s2;
	_ =	strace s9  }
0x27: {  	s1 =	sld [smem:$0x3FAE]  }
0x28: {  	s2 =	sld [smem:$0x3FAF]  }
0x29: {  	s4 =	sld [smem:$0x3FB1]  }
0x2a: {  	p0 =	seq.s32 s5, $0x0;
	s5 =	sld [smem:$0x3FB2]  }
0x2b: {  	s6 =	sld [smem:$0x3FB3]  }
0x2c: {  	s7 =	sld [smem:$0x3FB4]  }
0x2d: {  	s3 =	simm.s32 $0x108;
	s8 =	sld [smem:$0x3FB5]  }
0x2e: {  	s3 =	simm.s32 @!p0 $0x1082;
	s9 =	sld [smem:$0x3FB6]  }
0x2f: {  	lr =	sadd.s32 s0, s3;
	s0 =	sld [smem:$0x3FAD]  }
0x30: {  	s3 =	sld [smem:$0x3FB0]  }
0x31: {  	[smem:$0x3FB9] =	sst s10  }
0x32: {  	s10 =	sld [smem:$0x3FB7];
	_ =	sdelay $0x3  }
0x33: {  	p0 =	seq.s32 s10, $0x1;
	s10 =	sld [smem:$0x3FB9];
	_ =	sdelay $0x3  }
0x34: {  	[smem:$0x3FB9] =	sst s10  }
0x35: {  	s10 =	sld [smem:$0x3FB8];
	_ =	sdelay $0x3  }
0x36: {  	p1 =	seq.s32 s10, $0x1;
	s10 =	sld [smem:$0x3FB9];
	_ =	sdelay $0x3  }
0x37: {  	[smem:$0x3FB9] =	sst s10  }
0x38: {  	s10 =	sld [smem:$0x3FBA]  }
0x39: {  	_ = 	snop;
	(pc) =	sbr.ind lr, $3  }
0x3a: {  	_ = 	snop  }
0x3b: {  	_ = 	snop  }
0x3c: {  	p2 =	seq.s32 s10, $0x1;
	s10 =	sld [smem:$0x3FB9]  }
0x3d: {  	_ =	shalt  }
0x3e: {  	_ =	shalt  }
0x3f: {  	_ =	shalt  }
0x40: {  	_ =	shalt  }
0x41: {  	_ =	shalt  }
0x42: {  	_ =	shalt  }
0x43: {  	_ =	shalt  }
0x44: {  	_ =	shalt  }
0x45: {  	_ =	shalt  }
0x46: {  	_ =	shalt  }
0x47: {  	_ =	shalt  }
0x48: {  	_ =	shalt  }
0x49: {  	_ =	shalt  }
0x4a: {  	_ =	shalt  }
0x4b: {  	_ =	shalt  }
0x4c: {  	_ =	shalt  }
0x4d: {  	_ =	shalt  }
0x4e: {  	_ =	shalt  }
0x4f: {  	_ =	shalt  }
0x50: {  	_ =	shalt  }
0x51: {  	_ =	shalt  }
0x52: {  	_ =	shalt  }
0x53: {  	_ =	shalt  }
0x54: {  	_ =	shalt  }
0x55: {  	_ =	shalt  }
0x56: {  	_ =	shalt  }
0x57: {  	_ =	shalt  }
0x58: {  	_ =	shalt  }
0x59: {  	_ =	shalt  }
0x5a: {  	_ =	shalt  }
0x5b: {  	_ =	shalt  }
0x5c: {  	_ =	shalt  }
0x5d: {  	_ =	shalt  }
0x5e: {  	_ =	shalt  }
0x5f: {  	_ =	shalt  }
0x60: {  	_ =	shalt  }
0x61: {  	_ =	shalt  }
0x62: {  	_ =	shalt  }
0x63: {  	_ =	shalt  }
0x64: {  	_ =	shalt  }
0x65: {  	_ =	shalt  }
0x66: {  	_ =	shalt  }
0x67: {  	_ =	shalt  }
0x68: {  	_ =	shalt  }
0x69: {  	_ =	shalt  }
0x6a: {  	_ =	shalt  }
0x6b: {  	_ =	shalt  }
0x6c: {  	_ =	shalt  }
0x6d: {  	_ =	shalt  }
0x6e: {  	_ =	shalt  }
0x6f: {  	_ =	shalt  }
0x70: {  	_ =	shalt  }
0x71: {  	_ =	shalt  }
0x72: {  	_ =	shalt  }
0x73: {  	_ =	shalt  }
0x74: {  	_ =	shalt  }
0x75: {  	_ =	shalt  }
0x76: {  	_ =	shalt  }
0x77: {  	_ =	shalt  }
0x78: {  	_ =	shalt  }
0x79: {  	_ =	shalt  }
0x7a: {  	_ =	shalt  }
0x7b: {  	_ =	shalt  }
0x7c: {  	_ =	shalt  }
0x7d: {  	_ =	shalt  }
0x7e: {  	_ =	shalt  }
0x7f: {  	_ =	shalt  }
0x80: {  	_ =	shalt  }
0x81: {  	_ =	shalt  }
0x82: {  	_ =	shalt  }
0x83: {  	_ =	shalt  }
0x84: {  	_ =	shalt  }
0x85: {  	_ =	shalt  }
0x86: {  	_ =	shalt  }
0x87: {  	_ =	shalt  }
.Lfunc_end0:
.L_simem_size_0:
called_computation_lowered:
.L_overlay_start_0:
0x88: {  	s2 =	sld [smem:$0x3FD9]  }
0x89: {  	s3 =	sld [smem:$0x3FFE];
	_ =	sdelay $0x1  }
0x8a: {  	s1 =	srdreg.scid  }
0x8b: {  	s0 =	sand.u32 $0x1, s1  }
0x8c: {  	s17 =	sshll.u32 s0, $0xA;
	s2 =	sadd.s32 s3, s2  }
0x8d: {  	s2 =	sadd.s32 s2, s17  }
0x8e: {  	[smem:$0x3FC5] =	sst s2  }
0x8f: {  	_ = 	snop  }
0x90: {  	s2 =	sld [smem:$0x3FC9];
	(tm) =	ssettm $0x1  }
0x91: {  	s18 =	sld [smem:$0x3FFB];
	_ =	sdelay $0x3  }
0x92: {  	_ =	strace s18  }
0x93: {  	s3 =	sld [smem:$0x3FFC];
	_ =	sdelay $0x3  }
0x94: {  	_ =	strace s3  }
0x95: {  	s3 =	sld [smem:$0x3FFD];
	_ =	sdelay $0x3  }
0x96: {  	_ =	strace s3  }
0x97: {  	_ =	strace $0x8FFFFFFF  }
0x98: {  	s19 =	sld [smem:$0x3FDB];
	_ =	sdelay $0x1  }
0x99: {  	s4 =	simm.s32 $_scs_section_size  }
0x9a: {  	s5 =	simm.s32 $_size__tile_overlayer_lowered;
	s6 =	simm.s32 $_tile_overlayer_lowered  }
0x9b: {  	s22 =	simm.s32 $0x1BFF;
	s21 =	sshll.u32 s6, $0x1;
	s3 =	sadd.s32 s4, s19  }
0x9c: {  	s7 =	simm.s32 $0x0;
	s20 =	sshll.u32 s5, $0x1;
	s5 =	sadd.s32 s21, s3  }
0x9d: {  	[timem:s7], [sflag:s22] =	dma.local [hbm:s5], s20  }
0x9e: {  	_ =	swait.ge [sflag:s22], s20  }
0x9f: {  	s4 =	ssub.s32 $0x0, s20;
	[sflag:s22] =	ssyncset.done $0x0  }
0xa0: {  	[sflag:s22] =	ssyncadd.s32 s4;
	_ =	sdelay $0x1  }
0xa1: {  	s23 =	simm.s32 $0x1B8B  }
0xa2: {  	_ =	swait.ge [sflag:s23], $0x1  }
0xa3: {  	[sflag:s23] =	ssyncset.done $0x0  }
0xa4: {  	s25 =	simm.s32 $0x1B8E;
	s24 =	sld [smem:$0x3FFE];
	[sflag:s23] =	ssyncadd.s32 $0xFFFFFFFF  }
0xa5: {  	s26 =	simm.s32 $execute0_lowered;
	[smem:$0x3FD2] =	sst s25  }
0xa6: {  	s5 =	sshll.u32 s26, $0x1;
	_ =	strace $0x80000046;
	[dreg:$0x1] =	wrdreg $0xFFFFFFFF  }
0xa7: {  	s28 =	simm.s32 $_size_execute0_lowered;
	s3 =	sadd.s32 s3, s5;
	[dreg:$0x0] =	wrdreg $0x0  }
0xa8: {  	s5 =	sshll.u32 s28, $0x1;
	[dreg:$0x2] =	wrdreg s3  }
0xa9: {  	[dreg:$0x3] =	wrdreg s5  }
0xaa: {  	[dreg:$0x4] =	wrdreg $0xC0  }
0xab: {  	_ =	task [dreg:s7], $0x5FFFF  }
0xac: {  	[dreg:$0x1] =	wrdreg $0xFFFFFFFF  }
0xad: {  	[dreg:$0x0] =	wrdreg $0x60  }
0xae: {  	[dreg:$0x2] =	wrdreg s2  }
0xaf: {  	[dreg:$0x3] =	wrdreg s24  }
0xb0: {  	[dreg:$0x4] =	wrdreg $0x9  }
0xb1: {  	_ =	task.clear_ibuf [dreg:s7], $0x5FFFF;
	_ =	strace $0x90000046  }
0xb2: {  	s29 =	simm.s32 $0x9;
	_ =	strace $0x80000048  }
0xb3: {  	_ =	swait.ge [sflag:s29], $0x1  }
0xb4: {  	[sflag:s29] =	ssyncadd.s32 $0xFFFFFFFF  }
0xb5: {  	_ =	strace $0x90000048  }
0xb6: {  	_ =	sfence  }
0xb7: {  	s30 =	sld [smem:$0x0];
	_ =	sdelay $0x2  }
0xb8: {  	s31 =	sshll.u32 s1, $0xD;
	s1 =	sshrl.u32 s1, $0x2  }
0xb9: {  	s3 =	sand.u32 $0x4000, s31;
	s1 =	sadd.s32 s1, s30  }
0xba: {  	s0 =	sor.u32 s3, s0;
	s1 =	sshll.u32 s1, $0x11  }
0xbb: {  	s0 =	sor.u32 s1, s0  }
0xbc: {  	s0 =	sadd.s32 $0x8F2B, s0  }
0xbd: {  	[sflag:s0] =	ssyncadd.remote.s32 $0x1  }
0xbe: {  	_ =	sfence.sel $0xFFFF  }
0xbf: {  	[dreg:$0x0] =	wrdreg $0xFFFFFFFF;
	(pc) =	sbr.abs _section_cstart, $3  }
0xc0: {  	[dreg:$0x1] =	wrdreg $0xFFFFFFFF  }
0xc1: {  	_ =	task.clear_ibuf [dreg:s7], $0x2FFFF;
	_ =	strace $0x9FFFFFFF  }
0xc2: {  	(tm) =	ssettm $0x7FFFFFFF  }
0xc3: {  	_ =	shalt  }
tec
execute0_lowered:
.L_overlay_start_1:
0x0: {  	(tag) =	ssettag $0x1  }
0x1: {  	s2 =	rddreg [dreg:$0x0]  }
0x2: {  	s0 =	srdreg.scid;
	s5 =	rddreg [dreg:$0x1];
	s3 =	simm.s32 $0x0  }
0x3: {  	s8 =	simm.s32 $0x100;
	s9 =	simm.s32 $0x1000;
	s4 =	sand.u32 $0x1, s0  }
0x4: {  	s10 =	simm.s32 $0x1;
	s0 =	stileid.u32;
	s1 =	sshll.u32 s4, $0x4  }
0x5: {  	s11 =	simm.s32 $0x2000;
	s12 =	simm.s32 $0x2;
	s6 =	sor.u32 s0, s1  }
0x6: {  	[smem:$0x7FF] =	sst s3;
	s4 =	ssub.s32 $0x2, s4;
	s7 =	smul.u32 $0x300, s6  }
0x7: {  	s1 =	rddreg [dreg:$0x2];
	s31 =	sshrl.u32 s4, $0x1;
	s6 =	smul.u32 $0x30, s6  }
0x8: {  	_ =	strace $0x80000047;
	s5 =	sadd.s32 s7, s5;
	s7 =	ssub.s32 s4, s31  }
0x9: {  	v1 =	vlaneseq.u32;
	v0 =	vimm.f32 $0.0e+00;
	v2 =	vimm.f32 $1.000000000e+00;
	s13 =	sadd.s32 $0xA00, s6;
	s4 =	sadd.s32 $0x10, s2;
	s5 =	sadd.s32 $0xC00, s5  }
0xa: {  	v3 =	vimm.f32 $-1.000000000e+00;
	v1 =	vmul.u32 $0x80, v1;
	s6 =	smax.u32 s7, $0x1;
	s7 =	simm.s32 $0x80;
	v4 =	vmov s13;
	s13 =	simm.s32 $0x0  }
.LBB2_1:
0xb: {  	[tilespmem:s3], [sflag:$0x1] =	stream.strided.gather [hbm4b:s2+s7], $0x1000, s8, s7, $0x38;
	[tilespmem:$0x3800] =	vst v63  }
0xc: {  	s14 =	simm.s32 $0x40;
	s15 =	simm.s32 $0x0  }
0xd: {  	[tilespmem:s9], [sflag:$0x1] =	stream.strided.gather [hbm4b:s4+s7], $0x1000, s8, s7, $0x38;
	[tilespmem:$0x3800] =	vst v63  }
.LBB2_2:
0xe: {  	p0 =	sne.s32 s14, $0x5FC0;
	[tilespmem:s15+$0x2000] =	vst v0;
	s15 =	smov.u32 s14;
	s14 =	sadd.s32 $0x40, s14  }
.Ltmp0:
0xf: {  	(pc) =	sbr.rel @p0 .LBB2_2-.Ltmp0, $2  }
0x10: {  	_ =	sdelay $0x2  }
0x11: {  	s15 =	sshra.s32 s15, $0x2  }
0x12: {  	[tilespmem:s15+$0x2000] =	vst v0  }
0x13: {  	_ =	swait.ge [sflag:s10], $0x1000  }
0x14: {  	[sflag:s10] =	ssyncset.done $0x0  }
0x15: {  	[sflag:s10] =	ssyncadd.s32 $0xFFFFF000  }
0x16: {  	_ =	swait.ge [sflag:s10], $0x1000  }
0x17: {  	[sflag:s10] =	ssyncset.done $0x0  }
0x18: {  	s14 =	simm.s32 $0x0;
	[sflag:s10] =	ssyncadd.s32 $0xFFFFF000  }
.LBB2_4:
0x19: {  	_ =	sdelay $0x1  }
0x1a: {  	s15 =	sshll.u32 s14, $0x4  }
0x1b: {  	v5 =	vmov s15  }
0x1c: {  	v6 =	vld.idx.msk [tilespmem:v4+s15+$0x0 ss:$0x1], $0xffff;
	v5 =	vshll.u32 v5, $0x7  }
0x1d: {  	v7 =	vld.idx.msk [tilespmem:v4+s15+$0x1000 ss:$0x1], $0xffff;
	s15 =	simm.s32 $0x0;
	v5 =	vor.u32 v1, v5  }
.LBB2_5:
0x1e: {  	s16 =	sshra.s32 s15, $0x2  }
0x1f: {  	v8 =	vld [tilespmem:s16+$0x0]  }
0x20: {  	v9 =	vld [tilespmem:s16+$0x1000];
	_ =	sdelay $0x3  }
0x21: {  	v10 =	vbroadcast v8, $0x0  }
0x22: {  	v11 =	vbroadcast v9, $0x0;
	v27 =	vbroadcast v8, $0x1  }
0x23: {  	v12 =	vbroadcast v9, $0x1;
	v28 =	vbroadcast v8, $0x2  }
0x24: {  	v15 =	vbroadcast v9, $0x2;
	v19 =	vbroadcast v8, $0x3  }
0x25: {  	v30 =	vbroadcast v9, $0x3;
	v34 =	vbroadcast v8, $0x4  }
0x26: {  	v35 =	vbroadcast v9, $0x4;
	v36 =	vbroadcast v8, $0x5  }
0x27: {  	v22 =	vbroadcast v9, $0x5;
	v25 =	vbroadcast v8, $0x6  }
0x28: {  	v38 =	vbroadcast v9, $0x6;
	v42 =	vbroadcast v8, $0x7  }
0x29: {  	v43 =	vbroadcast v9, $0x7;
	v44 =	vbroadcast v8, $0x8  }
0x2a: {  	v48 =	vbroadcast v8, $0x9;
	v10 =	vsub.f32 v10, v6;
	v11 =	vsub.f32 v11, v7  }
0x2b: {  	v49 =	vbroadcast v9, $0x9;
	v14 =	vsub.f32 v12, v7;
	v15 =	vsub.f32 v15, v7  }
0x2c: {  	v51 =	vbroadcast v8, $0xA;
	v31 =	vsub.f32 v19, v6;
	v21 =	vsub.f32 v35, v7  }
0x2d: {  	v53 =	vbroadcast v8, $0xB;
	v22 =	vsub.f32 v22, v7;
	v17 =	vadd.f32 $3.000000000e+00, v10  }
0x2e: {  	v60 =	vbroadcast v8, $0xD;
	v10 =	vadd.f32 $3.000000000e+00, v11;
	v11 =	vsub.f32 v27, v6  }
0x2f: {  	v61 =	vbroadcast v9, $0xD;
	v39 =	vsub.f32 v25, v6;
	v27 =	vsub.f32 v43, v7  }
0x30: {  	v13 =	vmin.f32 v17, v10;
	v16 =	vmax.f32 v17, v10;
	v12 =	vadd.f32 $3.000000000e+00, v11  }
0x31: {  	v11 =	vadd.f32 $3.000000000e+00, v14;
	v17 =	vtrunc.f32 v17;
	v10 =	vtrunc.f32 v10  }
0x32: {  	vm0 =	vge.f32 v13, $0.0e+00;
	vm1 =	vlt.f32 v16, $6.000000000e+00;
	v13 =	vsub.f32 v28, v6  }
0x33: {  	v16 =	vadd.f32 $3.000000000e+00, v31;
	v28 =	vbroadcast v9, $0x8;
	v17 =	vcvt.f32.s32 v17  }
0x34: {  	v10 =	vcvt.f32.s32 v10;
	v29 =	vmin.f32 v12, v11;
	v18 =	vmax.f32 v12, v11  }
0x35: {  	vm2 =	vmand vm0, vm1;
	v12 =	vtrunc.f32 v12;
	v11 =	vtrunc.f32 v11  }
0x36: {  	v14 =	vadd.f32 $3.000000000e+00, v13;
	v13 =	vadd.f32 $3.000000000e+00, v15;
	vm3 =	vge.f32 v29, $0.0e+00  }
0x37: {  	vm4 =	vlt.f32 v18, $6.000000000e+00;
	v15 =	vsub.f32 v30, v7;
	v18 =	vsub.f32 v34, v6  }
0x38: {  	v45 =	vsub.f32 v28, v7;
	v28 =	vsub.f32 v49, v7;
	v34 =	vbroadcast v9, $0xB  }
0x39: {  	v17 =	vmul.u32 $0x6, v17;
	v12 =	vcvt.f32.s32 v12;
	v10 =	vadd.s32 v10, v5  }
0x3a: {  	v11 =	vcvt.f32.s32 v11;
	v49 =	vtrunc.f32 v16;
	vm1 =	vmand vm3, vm4  }
0x3b: {  	v32 =	vmin.f32 v14, v13;
	v15 =	vadd.f32 $3.000000000e+00, v15;
	v19 =	vadd.f32 $3.000000000e+00, v18  }
0x3c: {  	v33 =	vmax.f32 v14, v13;
	v18 =	vadd.f32 $3.000000000e+00, v21;
	v28 =	vadd.f32 $3.000000000e+00, v28  }
0x3d: {  	v54 =	vsub.f32 v34, v7;
	v34 =	vsub.f32 v60, v6;
	v14 =	vtrunc.f32 v14  }
0x3e: {  	v12 =	vmul.u32 $0x6, v12;
	v13 =	vtrunc.f32 v13;
	v10 =	vadd.s32 v17, v10  }
0x3f: {  	v11 =	vadd.s32 v11, v5;
	vm5 =	vge.f32 v32, $0.0e+00;
	v32 =	vbroadcast v9, $0xA  }
0x40: {  	vm6 =	vlt.f32 v33, $6.000000000e+00;
	v14 =	vcvt.f32.s32 v14;
	v13 =	vcvt.f32.s32 v13  }
0x41: {  	vm0 =	vmand vm5, vm6;
	v20 =	vmin.f32 v16, v15;
	v23 =	vmax.f32 v16, v15  }
0x42: {  	v37 =	vmin.f32 v19, v18;
	v24 =	vmax.f32 v19, v18;
	v34 =	vadd.f32 $3.000000000e+00, v34  }
0x43: {  	v11 =	vadd.s32 v12, v11;
	v15 =	vtrunc.f32 v15;
	vm14 =	vge.f32 v20, $0.0e+00  }
0x44: {  	vm15 =	vlt.f32 v23, $6.000000000e+00;
	v20 =	vsub.f32 v36, v6;
	vm12 =	vge.f32 v37, $0.0e+00  }
0x45: {  	vm7 =	vlt.f32 v24, $6.000000000e+00;
	v23 =	vadd.f32 $3.000000000e+00, v39;
	v24 =	vsub.f32 v42, v6  }
0x46: {  	v52 =	vsub.f32 v32, v7;
	v32 =	vsub.f32 v53, v6;
	v36 =	vbroadcast v8, $0xC  }
0x47: {  	v37 =	vbroadcast v9, $0xC;
	v39 =	vbroadcast v8, $0xE;
	v21 =	vadd.f32 $3.000000000e+00, v20  }
0x48: {  	v13 =	vadd.s32 v13, v5;
	v20 =	vadd.f32 $3.000000000e+00, v22;
	v22 =	vsub.f32 v38, v7  }
0x49: {  	v8 =	vbroadcast v8, $0xF;
	v25 =	vadd.f32 $3.000000000e+00, v24;
	v24 =	vadd.f32 $3.000000000e+00, v27  }
0x4a: {  	vm5 =	vmand vm14, vm15;
	v27 =	vsub.f32 v48, v6;
	v32 =	vadd.f32 $3.000000000e+00, v32  }
0x4b: {  	vm4 =	vmand vm12, vm7;
	v58 =	vsub.f32 v36, v6;
	v59 =	vsub.f32 v37, v7  }
0x4c: {  	v37 =	vsub.f32 v61, v7;
	v39 =	vsub.f32 v39, v6;
	v48 =	vmul.u32 $0x6, v14  }
0x4d: {  	v14 =	vcvt.f32.s32 v49;
	v8 =	vsub.f32 v8, v6;
	v40 =	vmin.f32 v21, v20  }
0x4e: {  	v41 =	vmax.f32 v21, v20;
	v22 =	vadd.f32 $3.000000000e+00, v22;
	v46 =	vmin.f32 v25, v24  }
0x4f: {  	v47 =	vmax.f32 v25, v24;
	v27 =	vadd.f32 $3.000000000e+00, v27;
	v36 =	vadd.f32 $3.000000000e+00, v59  }
0x50: {  	v37 =	vadd.f32 $3.000000000e+00, v37;
	v39 =	vadd.f32 $3.000000000e+00, v39;
	v12 =	vadd.s32 v48, v13  }
0x51: {  	v14 =	vmul.u32 $0x6, v14;
	v53 =	vtrunc.f32 v21;
	v61 =	vtrunc.f32 v25  }
0x52: {  	v8 =	vadd.f32 $3.000000000e+00, v8;
	vm8 =	vge.f32 v40, $0.0e+00;
	vm9 =	vlt.f32 v41, $6.000000000e+00  }
0x53: {  	vm15 =	vge.f32 v46, $0.0e+00;
	v40 =	vbroadcast v9, $0xE;
	v17 =	vcvt.f32.s32 v53  }
0x54: {  	vm12 =	vlt.f32 v47, $6.000000000e+00;
	v41 =	vtrunc.f32 v32;
	v9 =	vbroadcast v9, $0xF  }
0x55: {  	vm3 =	vmand vm8, vm9;
	v26 =	vmin.f32 v23, v22;
	v29 =	vmax.f32 v23, v22  }
0x56: {  	vm7 =	vmand vm15, vm12;
	v33 =	vmin.f32 v27, v28;
	v35 =	vmax.f32 v27, v28  }
0x57: {  	v59 =	vtrunc.f32 v22;
	vm13 =	vge.f32 v26, $0.0e+00;
	vm14 =	vlt.f32 v29, $6.000000000e+00  }
0x58: {  	v26 =	vsub.f32 v44, v6;
	v29 =	vsub.f32 v51, v6;
	vm15 =	vge.f32 v33, $0.0e+00  }
0x59: {  	vm10 =	vlt.f32 v35, $6.000000000e+00;
	v33 =	vadd.f32 $3.000000000e+00, v54;
	v35 =	vadd.f32 $3.000000000e+00, v58  }
0x5a: {  	v40 =	vsub.f32 v40, v7;
	v51 =	vtrunc.f32 v19;
	v54 =	vtrunc.f32 v20  }
0x5b: {  	v44 =	vmin.f32 v34, v37;
	v58 =	vtrunc.f32 v23;
	v60 =	vcvt.f32.s32 v59  }
0x5c: {  	v9 =	vsub.f32 v9, v7;
	vm6 =	vmand vm13, vm14;
	v30 =	vadd.f32 $3.000000000e+00, v26  }
0x5d: {  	vm9 =	vmand vm15, vm10;
	v26 =	vadd.f32 $3.000000000e+00, v45;
	v29 =	vadd.f32 $3.000000000e+00, v29  }
0x5e: {  	v57 =	vmin.f32 v32, v33;
	v38 =	vmax.f32 v32, v33;
	v62 =	vmin.f32 v35, v36  }
0x5f: {  	v63 =	vmax.f32 v35, v36;
	v40 =	vadd.f32 $3.000000000e+00, v40;
	v45 =	vmax.f32 v34, v37  }
0x60: {  	v42 =	vtrunc.f32 v33;
	v43 =	vtrunc.f32 v35;
	v9 =	vadd.f32 $3.000000000e+00, v9  }
0x61: {  	vm12 =	vge.f32 v57, $0.0e+00;
	vm15 =	vlt.f32 v63, $6.000000000e+00;
	v57 =	vmul.u32 $0x6, v17  }
0x62: {  	v17 =	vcvt.f32.s32 v58;
	v23 =	vcvt.f32.s32 v42;
	v50 =	vmin.f32 v30, v26  }
0x63: {  	v31 =	vmax.f32 v30, v26;
	v46 =	vmin.f32 v39, v40;
	v63 =	vtrunc.f32 v30  }
0x64: {  	v47 =	vmax.f32 v39, v40;
	v25 =	vtrunc.f32 v26;
	v26 =	vtrunc.f32 v27  }
0x65: {  	v27 =	vtrunc.f32 v28;
	v59 =	vtrunc.f32 v9;
	vm13 =	vge.f32 v50, $0.0e+00  }
0x66: {  	vm14 =	vlt.f32 v31, $6.000000000e+00;
	v50 =	vcvt.f32.s32 v15;
	v15 =	vcvt.f32.s32 v51  }
0x67: {  	v31 =	vadd.f32 $3.000000000e+00, v52;
	v52 =	vtrunc.f32 v18;
	v18 =	vcvt.f32.s32 v61  }
0x68: {  	v17 =	vmul.u32 $0x6, v17;
	v20 =	vcvt.f32.s32 v25;
	v21 =	vcvt.f32.s32 v26  }
0x69: {  	v28 =	vcvt.f32.s32 v27;
	v23 =	vadd.s32 v23, v5;
	v61 =	vcvt.f32.s32 v59  }
0x6a: {  	vm8 =	vmand vm13, vm14;
	vm13 =	vlt.f32 v38, $6.000000000e+00;
	v16 =	vcvt.f32.s32 v52  }
0x6b: {  	vm14 =	vge.f32 v62, $0.0e+00;
	v62 =	vtrunc.f32 v24;
	v24 =	vcvt.f32.s32 v63  }
0x6c: {  	v55 =	vmin.f32 v29, v31;
	v56 =	vmax.f32 v29, v31;
	v13 =	vadd.s32 v50, v5  }
0x6d: {  	v15 =	vmul.u32 $0x6, v15;
	v19 =	vcvt.f32.s32 v62;
	v18 =	vmul.u32 $0x6, v18  }
0x6e: {  	v20 =	vadd.s32 v20, v5;
	v21 =	vmul.u32 $0x6, v21;
	v29 =	vtrunc.f32 v29  }
0x6f: {  	v30 =	vtrunc.f32 v31;
	vm10 =	vge.f32 v55, $0.0e+00;
	vm11 =	vlt.f32 v56, $6.000000000e+00  }
0x70: {  	v13 =	vadd.s32 v14, v13;
	v56 =	vcvt.f32.s32 v54;
	v22 =	vcvt.f32.s32 v29  }
0x71: {  	v55 =	vadd.s32 v16, v5;
	v31 =	vcvt.f32.s32 v30;
	v54 =	vtrunc.f32 v39  }
0x72: {  	vm10 =	vmand vm10, vm11;
	vm11 =	vmand vm12, vm13;
	vm13 =	vge.f32 v44, $0.0e+00  }
0x73: {  	vm12 =	vmand vm14, vm15;
	vm14 =	vlt.f32 v45, $6.000000000e+00;
	vm15 =	vlt.f32 v47, $6.000000000e+00  }
0x74: {  	v14 =	vadd.s32 v15, v55;
	v19 =	vadd.s32 v19, v5;
	v44 =	vtrunc.f32 v36  }
0x75: {  	v45 =	vtrunc.f32 v34;
	v55 =	vtrunc.f32 v40;
	vm13 =	vmand vm13, vm14  }
0x76: {  	vm14 =	vge.f32 v46, $0.0e+00;
	v16 =	vadd.s32 v56, v5;
	v18 =	vadd.s32 v18, v19  }
0x77: {  	v19 =	vadd.s32 v28, v5;
	v38 =	vmul.u32 $0x6, v22;
	v22 =	vcvt.f32.s32 v41  }
0x78: {  	v46 =	vtrunc.f32 v37;
	v49 =	vcvt.f32.s32 v45;
	v56 =	vmin.f32 v8, v9  }
0x79: {  	vm14 =	vmand vm14, vm15;
	v15 =	vadd.s32 v57, v16;
	v16 =	vadd.s32 v60, v5  }
0x7a: {  	[tilespmem:v10+s11+$0x0] =	vst.idx.add.f32.msk vm2, v2;
	v19 =	vadd.s32 v21, v19;
	v21 =	vcvt.f32.s32 v43;
	v50 =	vcvt.f32.s32 v46  }
0x7b: {  	[tilespmem:v11+s11+$0x0] =	vst.idx.add.f32.msk vm1, v2;
	v57 =	vtrunc.f32 v8;
	v16 =	vadd.s32 v17, v16;
	v17 =	vmul.u32 $0x6, v24  }
0x7c: {  	[tilespmem:v12+s11+$0x0] =	vst.idx.add.f32.msk vm0, v2;
	v8 =	vmax.f32 v8, v9;
	v22 =	vmul.u32 $0x6, v22;
	v24 =	vcvt.f32.s32 v44  }
0x7d: {  	v52 =	vmul.u32 $0x6, v49;
	v58 =	vcvt.f32.s32 v57;
	[tilespmem:v13+s11+$0x0] =	vst.idx.add.f32.msk vm5, v2;
	v17 =	vadd.s32 v17, v20  }
0x7e: {  	vm15 =	vlt.f32 v8, $6.000000000e+00;
	v48 =	vmul.u32 $0x6, v21;
	v20 =	vadd.s32 v31, v5;
	[tilespmem:v14+s11+$0x0] =	vst.idx.add.f32.msk vm4, v2  }
0x7f: {  	v53 =	vadd.s32 v50, v5;
	v13 =	vcvt.f32.s32 v54;
	v20 =	vadd.s32 v38, v20;
	[tilespmem:v15+s11+$0x0] =	vst.idx.add.f32.msk vm3, v2  }
0x80: {  	v47 =	vadd.s32 v22, v23;
	v51 =	vadd.s32 v24, v5;
	v14 =	vcvt.f32.s32 v55;
	[tilespmem:v16+s11+$0x0] =	vst.idx.add.f32.msk vm6, v2  }
0x81: {  	v12 =	vadd.s32 v52, v53;
	v11 =	vadd.s32 v48, v51;
	v60 =	vmul.u32 $0x6, v13;
	[tilespmem:v18+s11+$0x0] =	vst.idx.add.f32.msk vm7, v2  }
0x82: {  	v62 =	vmul.u32 $0x6, v58;
	v8 =	vadd.s32 v14, v5;
	vm6 =	vge.f32 v56, $0.0e+00;
	[tilespmem:v17+s11+$0x0] =	vst.idx.add.f32.msk vm8, v2  }
0x83: {  	v63 =	vadd.s32 v61, v5;
	v8 =	vadd.s32 v60, v8;
	vm0 =	vmand vm6, vm15;
	[tilespmem:v19+s11+$0x0] =	vst.idx.add.f32.msk vm9, v2  }
0x84: {  	p0 =	sne.s32 s15, $0x3FC0;
	v9 =	vadd.s32 v62, v63;
	[tilespmem:v20+s11+$0x0] =	vst.idx.add.f32.msk vm10, v2  }
.Ltmp1:
0x85: {  	[tilespmem:v47+s11+$0x0] =	vst.idx.add.f32.msk vm11, v2;
	(pc) =	sbr.rel @p0 .LBB2_5-.Ltmp1, $4  }
0x86: {  	[tilespmem:v11+s11+$0x0] =	vst.idx.add.f32.msk vm12, v2  }
0x87: {  	[tilespmem:v12+s11+$0x0] =	vst.idx.add.f32.msk vm13, v2  }
0x88: {  	[tilespmem:v8+s11+$0x0] =	vst.idx.add.f32.msk vm14, v2  }
0x89: {  	s15 =	sadd.s32 $0x40, s15;
	[tilespmem:v9+s11+$0x0] =	vst.idx.add.f32.msk vm0, v2  }
0x8a: {  	v6 =	vmul.f32 $0.0e+00, v6;
	v7 =	vmul.f32 $0.0e+00, v7;
	_ =	sdelay $0x1  }
0x8b: {  	vm0 =	veq.f32 v6, $0.0e+00;
	vm1 =	veq.f32 v7, $0.0e+00  }
0x8c: {  	s14 =	sadd.s32 $0x1, s14;
	vm0 =	vmand vm0, vm1  }
0x8d: {  	v5 =	vor.u32 $0x15, v5;
	p0 =	sne.s32 s14, $0x3  }
.Ltmp2:
0x8e: {  	_ = 	snop;
	(pc) =	sbr.rel @p0 .LBB2_4-.Ltmp2, $2  }
0x8f: {  	_ =	sdelay $0x2  }
0x90: {  	[tilespmem:v5+s11+$0x0] =	vst.idx.add.f32.msk vm0, v3  }
0x91: {  	s13 =	sadd.s32 $0x1, s13  }
0x92: {  	p0 =	sne.s32 s13, s6  }
.Ltmp3:
0x93: {  	_ = 	snop;
	(pc) =	sbr.rel @p0 .LBB2_1-.Ltmp3, $4  }
0x94: {  	[hbm4b:s5+s3] =	stream.linear.scatter [tilespmem:s11], [sflag:$0x2], $0x1800, $0x38;
	[tilespmem:$0x3800] =	vst v63  }
0x95: {  	_ =	swait.ge [sflag:s12], $0x1800  }
0x96: {  	[sflag:s12] =	ssyncset.done $0x0  }
0x97: {  	[sflag:s12] =	ssyncadd.s32 $0xFFFFE800  }
0x98: {  	_ =	sfence.sel $0x180000  }
0x99: {  	[bflag:$0x0] =	sbarrier.arrive $0xFFFF  }
0x9a: {  	p0 =	sne.s32 s0, $0x0;
	_ =	strace $0x90000047  }
0x9b: {  	s0 =	sadd.s32 @!p0 $0x100000, s1;
	[bflag:$0x2] =	sbarrier.arrive $0xFFFF  }
0x9c: {  	[sflag:s0] =	ssyncadd.tile.s32 @!p0 $0x1;
	_ =	shalt  }
.Lfunc_end2:
_tile_overlayer_lowered:
.L_overlay_start_2:
0x9d: {  	(tag) =	ssettag $0x2  }
0x9e: {  	s0 =	rddreg [dreg:$0x0];
	s2 =	stileid.u32  }
0x9f: {  	s1 =	rddreg [dreg:$0x1];
	p0 =	sne.s32 s2, $0x0  }
0xa0: {  	s3 =	rddreg [dreg:$0x2];
	[bflag:$0x3] =	sbarrier.arrive $0xFFFF;
	s2 =	simm.s32 @!p0 $0x1C02  }
0xa1: {  	[timem:s3], [sflag:s2] =	dma.local @!p0 [hbm:s0], s1  }
0xa2: {  	s0 =	simm.s32 @!p0 $0x2  }
0xa3: {  	_ =	swait.ge @!p0 [sflag:s0], s1  }
0xa4: {  	s1 =	ssub.s32 @!p0 $0x0, s1;
	[sflag:s0] =	ssyncset.done @!p0 $0x0  }
0xa5: {  	[sflag:s0] =	ssyncadd.s32 @!p0 s1  }
0xa6: {  	[bflag:$0x3] =	sbarrier.arrive $0xFFFF  }
0xa7: {  	_ =	shalt  }

</sc_bundles>
